<compile_context>
chip_gen: v7x
topology: tpu7x:2x2x1
jax: 0.10.2.dev20260603
libtpu: 0.0.44.dev20260713+nightly
codegen_flags: <defaults>
</compile_context>

<pallas_src>
import functools
import jax
import jax.numpy as jnp
from jax import lax
from jax.experimental import pallas as pl
from jax.experimental.pallas import tpu as pltpu
from jax.experimental.pallas import tpu_sc as plsc

VOCAB = 100000
EMBED = 128
BATCH = 16384
NSAMP = 64

NC = 2
NS = 16
NW = NC * NS

CHUNK = 128
SMALL_CH = BATCH // NW // CHUNK
NOISE_CH = BATCH * NSAMP // NW // CHUNK
NB = 4

_mesh = plsc.VectorSubcoreMesh(
    core_axis_name="c", subcore_axis_name="s", num_cores=NC, num_subcores=NS)


@functools.partial(
    pl.kernel,
    out_type=(
        jax.ShapeDtypeStruct((BATCH, EMBED), jnp.float32),
        jax.ShapeDtypeStruct((BATCH, EMBED), jnp.float32),
        jax.ShapeDtypeStruct((BATCH * NSAMP, EMBED), jnp.float32),
    ),
    mesh=_mesh,
    scratch_types=(
        pltpu.VMEM((SMALL_CH, CHUNK), jnp.int32),
        pltpu.VMEM((SMALL_CH, CHUNK), jnp.int32),
        pltpu.VMEM((NOISE_CH, CHUNK), jnp.int32),
        pltpu.VMEM((NB, CHUNK, EMBED), jnp.float32),
        pltpu.SemaphoreType.DMA,
    ),
)
def _sc_gather(iw_h, ow_h, nz_h, tin_h, tout_h, o1_h, o2_h, o3_h,
               idxa_v, idxb_v, idxn_v, bufs_v, gsem):
    w = lax.axis_index("s") * NC + lax.axis_index("c")

    pltpu.sync_copy(iw_h.at[w], idxa_v)
    pltpu.sync_copy(ow_h.at[w], idxb_v)
    pltpu.sync_copy(nz_h.at[w], idxn_v)

    for idx_v, tab_h, out_h in ((idxa_v, tin_h, o1_h), (idxb_v, tout_h, o2_h)):
        descs = []
        for b in range(SMALL_CH):
            descs.append(
                pltpu.async_copy(tab_h.at[idx_v.at[b]], bufs_v.at[b], gsem))
        for b in range(SMALL_CH):
            descs[b].wait()
            pltpu.sync_copy(
                bufs_v.at[b],
                out_h.at[pl.ds((w * SMALL_CH + b) * CHUNK, CHUNK)])

    base = w * (NOISE_CH * CHUNK)

    @pl.loop(0, NOISE_CH, step=NB, unroll=2)
    def _group(g):
        descs = []
        for b in range(NB):
            descs.append(
                pltpu.async_copy(tout_h.at[idxn_v.at[g + b]], bufs_v.at[b],
                                 gsem))
        for b in range(NB):
            descs[b].wait()
            pltpu.sync_copy(
                bufs_v.at[b],
                o3_h.at[pl.ds(base + (g + b) * CHUNK, CHUNK)])


def kernel(input_words, output_words, noise_words, in_embed, out_embed):
    iw = input_words.astype(jnp.int32).reshape(NW, SMALL_CH, CHUNK)
    ow = output_words.astype(jnp.int32).reshape(NW, SMALL_CH, CHUNK)
    nz = noise_words.astype(jnp.int32).reshape(NW, NOISE_CH, CHUNK)
    o1, o2, o3 = _sc_gather(iw, ow, nz, in_embed, out_embed)
    return o1, o2, o3.reshape(BATCH, NSAMP, EMBED)

# --- scband reference (transcript-rebuilt; emitter-appended) ---
"""Pipeline reference for scband-skip-gram-neg-65249143161572 (READ-ONLY COPY).

The authoritative reference and input builder live on the scoring server;
editing this copy changes nothing except your own understanding.
"""

import jax, jax.numpy as jnp
import numpy as np

VOCAB = 100000
EMBED = 128
BATCH = 16384
NSAMP = 64

def setup_inputs(seed: int = 0) -> dict:
    key = jax.random.key(seed)
    k1, k2, k3, k4, k5 = jax.random.split(key, 5)
    input_words = jax.random.randint(k1, (BATCH,), 0, VOCAB, dtype=jnp.int64 if jax.config.jax_enable_x64 else jnp.int32)
    output_words = jax.random.randint(k2, (BATCH,), 0, VOCAB, dtype=jnp.int64 if jax.config.jax_enable_x64 else jnp.int32)
    noise_words = jax.random.randint(k3, (BATCH, NSAMP), 0, VOCAB, dtype=jnp.int64 if jax.config.jax_enable_x64 else jnp.int32)
    # embedding tables initialized uniform(-1, 1) per weight_init
    in_embed = jax.random.uniform(k4, (VOCAB, EMBED), minval=-1.0, maxval=1.0, dtype=jnp.float32)
    out_embed = jax.random.uniform(k5, (VOCAB, EMBED), minval=-1.0, maxval=1.0, dtype=jnp.float32)
    return {"input_words": input_words, "output_words": output_words, "noise_words": noise_words,
            "in_embed": in_embed, "out_embed": out_embed}

def reference(input_words, output_words, noise_words, in_embed, out_embed):
    # forward_input: gather from in_embed
    input_vectors = jnp.take(in_embed, input_words, axis=0)          # [B, D]
    # forward_output: gather from out_embed
    output_vectors = jnp.take(out_embed, output_words, axis=0)       # [B, D]
    # forward_noise: gather noise words from out_embed, reshape to [B, n_samples, D]
    noise_vectors = jnp.take(out_embed, noise_words.reshape(-1), axis=0).reshape(
        noise_words.shape[0], noise_words.shape[1], in_embed.shape[1])  # [B, K, D]
    return input_vectors, output_vectors, noise_vectors

if __name__ == "__main__":
    import jax
    _d = setup_inputs()
    print(jax.jit(kernel)(*tuple(_d.values())))

</pallas_src>

<mosaic_0001>
#map = affine_map<(d0, d1) -> (0, 0, 0)>
#map1 = affine_map<(d0, d1) -> (0, 0)>
module attributes {stable_mosaic.version = 14 : i64} {
  func.func @_sc_gather(%arg0: i32, %arg1: i32, %arg2: memref<32x4x128xi32, #tpu.memory_space<hbm>>, %arg3: memref<32x4x128xi32, #tpu.memory_space<hbm>>, %arg4: memref<32x256x128xi32, #tpu.memory_space<hbm>>, %arg5: memref<100000x128xf32, #tpu.memory_space<hbm>>, %arg6: memref<100000x128xf32, #tpu.memory_space<hbm>>, %arg7: memref<16384x128xf32, #tpu.memory_space<hbm>>, %arg8: memref<16384x128xf32, #tpu.memory_space<hbm>>, %arg9: memref<1048576x128xf32, #tpu.memory_space<hbm>>, %arg10: memref<4x128xi32, #tpu.memory_space<vmem>>, %arg11: memref<4x128xi32, #tpu.memory_space<vmem>>, %arg12: memref<256x128xi32, #tpu.memory_space<vmem>>, %arg13: memref<4x128x128xf32, #tpu.memory_space<vmem>>, %arg14: memref<!tpu.dma_semaphore, #tpu.memory_space<semaphore_mem>>) attributes {dimension_semantics = [#tpu.dimension_semantics<core_parallel>, #tpu.dimension_semantics<subcore_parallel>], iteration_bounds = array<i64: 2, 16>, scalar_prefetch = 0 : i64, scratch_operands = 5 : i64, tpu.core_type = #tpu.core_type<sc_vector_subcore>, window_params = [{transform_indices = #map}, {transform_indices = #map}, {transform_indices = #map}, {transform_indices = #map1}, {transform_indices = #map1}, {transform_indices = #map1}, {transform_indices = #map1}, {transform_indices = #map1}]} {
    %mul3A = arith.constant 2 : i32
    %mul3A_0 = arith.muli %arg1, %mul3A : i32
    %add3A = arith.addi %mul3A_0, %arg0 : i32
    "tpu.region"() ({
      %run_scoped3A_252 = tpu.sem_alloc : memref<!tpu.dma_semaphore, #tpu.memory_space<semaphore_mem>>
      %dma_start3A_253 = arith.constant 0 : i32
      %dma_start3A_254 = arith.constant 0 : i32
      %dma_start3A_255 = tpu.memref_slice %arg2[%add3A, %dma_start3A_253, %dma_start3A_254] : memref<32x4x128xi32, #tpu.memory_space<hbm>> -> memref<1x4x128xi32, #tpu.memory_space<hbm>>
      %dma_start3A_256 = tpu.memref_squeeze %dma_start3A_255 : memref<1x4x128xi32, #tpu.memory_space<hbm>> -> memref<4x128xi32, #tpu.memory_space<hbm>>
      %dma_start3A_257 = arith.constant 0 : i32
      %dma_start3A_258 = arith.constant 0 : i32
      %dma_start3A_259 = tpu.memref_slice %arg2[%add3A, %dma_start3A_257, %dma_start3A_258] : memref<32x4x128xi32, #tpu.memory_space<hbm>> -> memref<1x4x128xi32, #tpu.memory_space<hbm>>
      %dma_start3A_260 = tpu.memref_squeeze %dma_start3A_259 : memref<1x4x128xi32, #tpu.memory_space<hbm>> -> memref<4x128xi32, #tpu.memory_space<hbm>>
      tpu.enqueue_dma source(%dma_start3A_260 : memref<4x128xi32, #tpu.memory_space<hbm>>) target(%arg10 : memref<4x128xi32, #tpu.memory_space<vmem>>) target_semaphore(%run_scoped3A_252 : memref<!tpu.dma_semaphore, #tpu.memory_space<semaphore_mem>>)
      %dma_wait3A_261 = arith.constant 0 : i32
      %dma_wait3A_262 = arith.constant 0 : i32
      %dma_wait3A_263 = tpu.memref_slice %arg2[%add3A, %dma_wait3A_261, %dma_wait3A_262] : memref<32x4x128xi32, #tpu.memory_space<hbm>> -> memref<1x4x128xi32, #tpu.memory_space<hbm>>
      %dma_wait3A_264 = tpu.memref_squeeze %dma_wait3A_263 : memref<1x4x128xi32, #tpu.memory_space<hbm>> -> memref<4x128xi32, #tpu.memory_space<hbm>>
      %dma_wait3A_265 = arith.constant 0 : i32
      %dma_wait3A_266 = arith.constant 0 : i32
      %dma_wait3A_267 = tpu.memref_slice %arg2[%add3A, %dma_wait3A_265, %dma_wait3A_266] : memref<32x4x128xi32, #tpu.memory_space<hbm>> -> memref<1x4x128xi32, #tpu.memory_space<hbm>>
      %dma_wait3A_268 = tpu.memref_squeeze %dma_wait3A_267 : memref<1x4x128xi32, #tpu.memory_space<hbm>> -> memref<4x128xi32, #tpu.memory_space<hbm>>
      tpu.wait_dma2 semaphore(%run_scoped3A_252 : memref<!tpu.dma_semaphore, #tpu.memory_space<semaphore_mem>>) src(%dma_wait3A_268 : memref<4x128xi32, #tpu.memory_space<hbm>>) dst(%arg10 : memref<4x128xi32, #tpu.memory_space<vmem>>)
      tpu.yield
    }) : () -> ()
    "tpu.region"() ({
      %run_scoped3A_252 = tpu.sem_alloc : memref<!tpu.dma_semaphore, #tpu.memory_space<semaphore_mem>>
      %dma_start3A_253 = arith.constant 0 : i32
      %dma_start3A_254 = arith.constant 0 : i32
      %dma_start3A_255 = tpu.memref_slice %arg3[%add3A, %dma_start3A_253, %dma_start3A_254] : memref<32x4x128xi32, #tpu.memory_space<hbm>> -> memref<1x4x128xi32, #tpu.memory_space<hbm>>
      %dma_start3A_256 = tpu.memref_squeeze %dma_start3A_255 : memref<1x4x128xi32, #tpu.memory_space<hbm>> -> memref<4x128xi32, #tpu.memory_space<hbm>>
      %dma_start3A_257 = arith.constant 0 : i32
      %dma_start3A_258 = arith.constant 0 : i32
      %dma_start3A_259 = tpu.memref_slice %arg3[%add3A, %dma_start3A_257, %dma_start3A_258] : memref<32x4x128xi32, #tpu.memory_space<hbm>> -> memref<1x4x128xi32, #tpu.memory_space<hbm>>
      %dma_start3A_260 = tpu.memref_squeeze %dma_start3A_259 : memref<1x4x128xi32, #tpu.memory_space<hbm>> -> memref<4x128xi32, #tpu.memory_space<hbm>>
      tpu.enqueue_dma source(%dma_start3A_260 : memref<4x128xi32, #tpu.memory_space<hbm>>) target(%arg11 : memref<4x128xi32, #tpu.memory_space<vmem>>) target_semaphore(%run_scoped3A_252 : memref<!tpu.dma_semaphore, #tpu.memory_space<semaphore_mem>>)
      %dma_wait3A_261 = arith.constant 0 : i32
      %dma_wait3A_262 = arith.constant 0 : i32
      %dma_wait3A_263 = tpu.memref_slice %arg3[%add3A, %dma_wait3A_261, %dma_wait3A_262] : memref<32x4x128xi32, #tpu.memory_space<hbm>> -> memref<1x4x128xi32, #tpu.memory_space<hbm>>
      %dma_wait3A_264 = tpu.memref_squeeze %dma_wait3A_263 : memref<1x4x128xi32, #tpu.memory_space<hbm>> -> memref<4x128xi32, #tpu.memory_space<hbm>>
      %dma_wait3A_265 = arith.constant 0 : i32
      %dma_wait3A_266 = arith.constant 0 : i32
      %dma_wait3A_267 = tpu.memref_slice %arg3[%add3A, %dma_wait3A_265, %dma_wait3A_266] : memref<32x4x128xi32, #tpu.memory_space<hbm>> -> memref<1x4x128xi32, #tpu.memory_space<hbm>>
      %dma_wait3A_268 = tpu.memref_squeeze %dma_wait3A_267 : memref<1x4x128xi32, #tpu.memory_space<hbm>> -> memref<4x128xi32, #tpu.memory_space<hbm>>
      tpu.wait_dma2 semaphore(%run_scoped3A_252 : memref<!tpu.dma_semaphore, #tpu.memory_space<semaphore_mem>>) src(%dma_wait3A_268 : memref<4x128xi32, #tpu.memory_space<hbm>>) dst(%arg11 : memref<4x128xi32, #tpu.memory_space<vmem>>)
      tpu.yield
    }) : () -> ()
    "tpu.region"() ({
      %run_scoped3A_252 = tpu.sem_alloc : memref<!tpu.dma_semaphore, #tpu.memory_space<semaphore_mem>>
      %dma_start3A_253 = arith.constant 0 : i32
      %dma_start3A_254 = arith.constant 0 : i32
      %dma_start3A_255 = tpu.memref_slice %arg4[%add3A, %dma_start3A_253, %dma_start3A_254] : memref<32x256x128xi32, #tpu.memory_space<hbm>> -> memref<1x256x128xi32, #tpu.memory_space<hbm>>
      %dma_start3A_256 = tpu.memref_squeeze %dma_start3A_255 : memref<1x256x128xi32, #tpu.memory_space<hbm>> -> memref<256x128xi32, #tpu.memory_space<hbm>>
      %dma_start3A_257 = arith.constant 0 : i32
      %dma_start3A_258 = arith.constant 0 : i32
      %dma_start3A_259 = tpu.memref_slice %arg4[%add3A, %dma_start3A_257, %dma_start3A_258] : memref<32x256x128xi32, #tpu.memory_space<hbm>> -> memref<1x256x128xi32, #tpu.memory_space<hbm>>
      %dma_start3A_260 = tpu.memref_squeeze %dma_start3A_259 : memref<1x256x128xi32, #tpu.memory_space<hbm>> -> memref<256x128xi32, #tpu.memory_space<hbm>>
      tpu.enqueue_dma source(%dma_start3A_260 : memref<256x128xi32, #tpu.memory_space<hbm>>) target(%arg12 : memref<256x128xi32, #tpu.memory_space<vmem>>) target_semaphore(%run_scoped3A_252 : memref<!tpu.dma_semaphore, #tpu.memory_space<semaphore_mem>>)
      %dma_wait3A_261 = arith.constant 0 : i32
      %dma_wait3A_262 = arith.constant 0 : i32
      %dma_wait3A_263 = tpu.memref_slice %arg4[%add3A, %dma_wait3A_261, %dma_wait3A_262] : memref<32x256x128xi32, #tpu.memory_space<hbm>> -> memref<1x256x128xi32, #tpu.memory_space<hbm>>
      %dma_wait3A_264 = tpu.memref_squeeze %dma_wait3A_263 : memref<1x256x128xi32, #tpu.memory_space<hbm>> -> memref<256x128xi32, #tpu.memory_space<hbm>>
      %dma_wait3A_265 = arith.constant 0 : i32
      %dma_wait3A_266 = arith.constant 0 : i32
      %dma_wait3A_267 = tpu.memref_slice %arg4[%add3A, %dma_wait3A_265, %dma_wait3A_266] : memref<32x256x128xi32, #tpu.memory_space<hbm>> -> memref<1x256x128xi32, #tpu.memory_space<hbm>>
      %dma_wait3A_268 = tpu.memref_squeeze %dma_wait3A_267 : memref<1x256x128xi32, #tpu.memory_space<hbm>> -> memref<256x128xi32, #tpu.memory_space<hbm>>
      tpu.wait_dma2 semaphore(%run_scoped3A_252 : memref<!tpu.dma_semaphore, #tpu.memory_space<semaphore_mem>>) src(%dma_wait3A_268 : memref<256x128xi32, #tpu.memory_space<hbm>>) dst(%arg12 : memref<256x128xi32, #tpu.memory_space<vmem>>)
      tpu.yield
    }) : () -> ()
    %dma_start3A = arith.constant 0 : i32
    %dma_start3A_1 = arith.constant 0 : i32
    %dma_start3A_2 = arith.constant 0 : i32
    %dma_start3A_3 = arith.constant 0 : i32
    %dma_start3A_4 = tpu.memref_slice %arg13[%dma_start3A_1, %dma_start3A_2, %dma_start3A_3] : memref<4x128x128xf32, #tpu.memory_space<vmem>> -> memref<1x128x128xf32, #tpu.memory_space<vmem>>
    %dma_start3A_5 = tpu.memref_squeeze %dma_start3A_4 : memref<1x128x128xf32, #tpu.memory_space<vmem>> -> memref<128x128xf32, #tpu.memory_space<vmem>>
    %dma_start3A_6 = arith.constant 0 : i32
    %dma_start3A_7 = tpu.memref_slice %arg10[%dma_start3A, %dma_start3A_6] : memref<4x128xi32, #tpu.memory_space<vmem>> -> memref<1x128xi32, #tpu.memory_space<vmem>>
    %dma_start3A_8 = tpu.memref_squeeze %dma_start3A_7 : memref<1x128xi32, #tpu.memory_space<vmem>> -> memref<128xi32, #tpu.memory_space<vmem>>
    %dma_start3A_9 = arith.constant 0 : i32
    %dma_start3A_10 = arith.constant 0 : i32
    %dma_start3A_11 = tpu.memref_slice %arg5[%dma_start3A_9, %dma_start3A_10] : memref<100000x128xf32, #tpu.memory_space<hbm>> -> memref<100000x128xf32, #tpu.memory_space<hbm>>
    tpu.enqueue_indirect_dma source(%dma_start3A_11 : memref<100000x128xf32, #tpu.memory_space<hbm>>) target(%dma_start3A_5 : memref<128x128xf32, #tpu.memory_space<vmem>>) offsets(%dma_start3A_8 : memref<128xi32, #tpu.memory_space<vmem>>) semaphore(%arg14 : memref<!tpu.dma_semaphore, #tpu.memory_space<semaphore_mem>>)
    %dma_start3A_12 = arith.constant 1 : i32
    %dma_start3A_13 = arith.constant 1 : i32
    %dma_start3A_14 = arith.constant 0 : i32
    %dma_start3A_15 = arith.constant 0 : i32
    %dma_start3A_16 = tpu.memref_slice %arg13[%dma_start3A_13, %dma_start3A_14, %dma_start3A_15] : memref<4x128x128xf32, #tpu.memory_space<vmem>> -> memref<1x128x128xf32, #tpu.memory_space<vmem>>
    %dma_start3A_17 = tpu.memref_squeeze %dma_start3A_16 : memref<1x128x128xf32, #tpu.memory_space<vmem>> -> memref<128x128xf32, #tpu.memory_space<vmem>>
    %dma_start3A_18 = arith.constant 0 : i32
    %dma_start3A_19 = tpu.memref_slice %arg10[%dma_start3A_12, %dma_start3A_18] : memref<4x128xi32, #tpu.memory_space<vmem>> -> memref<1x128xi32, #tpu.memory_space<vmem>>
    %dma_start3A_20 = tpu.memref_squeeze %dma_start3A_19 : memref<1x128xi32, #tpu.memory_space<vmem>> -> memref<128xi32, #tpu.memory_space<vmem>>
    %dma_start3A_21 = arith.constant 0 : i32
    %dma_start3A_22 = arith.constant 0 : i32
    %dma_start3A_23 = tpu.memref_slice %arg5[%dma_start3A_21, %dma_start3A_22] : memref<100000x128xf32, #tpu.memory_space<hbm>> -> memref<100000x128xf32, #tpu.memory_space<hbm>>
    tpu.enqueue_indirect_dma source(%dma_start3A_23 : memref<100000x128xf32, #tpu.memory_space<hbm>>) target(%dma_start3A_17 : memref<128x128xf32, #tpu.memory_space<vmem>>) offsets(%dma_start3A_20 : memref<128xi32, #tpu.memory_space<vmem>>) semaphore(%arg14 : memref<!tpu.dma_semaphore, #tpu.memory_space<semaphore_mem>>)
    %dma_start3A_24 = arith.constant 2 : i32
    %dma_start3A_25 = arith.constant 2 : i32
    %dma_start3A_26 = arith.constant 0 : i32
    %dma_start3A_27 = arith.constant 0 : i32
    %dma_start3A_28 = tpu.memref_slice %arg13[%dma_start3A_25, %dma_start3A_26, %dma_start3A_27] : memref<4x128x128xf32, #tpu.memory_space<vmem>> -> memref<1x128x128xf32, #tpu.memory_space<vmem>>
    %dma_start3A_29 = tpu.memref_squeeze %dma_start3A_28 : memref<1x128x128xf32, #tpu.memory_space<vmem>> -> memref<128x128xf32, #tpu.memory_space<vmem>>
    %dma_start3A_30 = arith.constant 0 : i32
    %dma_start3A_31 = tpu.memref_slice %arg10[%dma_start3A_24, %dma_start3A_30] : memref<4x128xi32, #tpu.memory_space<vmem>> -> memref<1x128xi32, #tpu.memory_space<vmem>>
    %dma_start3A_32 = tpu.memref_squeeze %dma_start3A_31 : memref<1x128xi32, #tpu.memory_space<vmem>> -> memref<128xi32, #tpu.memory_space<vmem>>
    %dma_start3A_33 = arith.constant 0 : i32
    %dma_start3A_34 = arith.constant 0 : i32
    %dma_start3A_35 = tpu.memref_slice %arg5[%dma_start3A_33, %dma_start3A_34] : memref<100000x128xf32, #tpu.memory_space<hbm>> -> memref<100000x128xf32, #tpu.memory_space<hbm>>
    tpu.enqueue_indirect_dma source(%dma_start3A_35 : memref<100000x128xf32, #tpu.memory_space<hbm>>) target(%dma_start3A_29 : memref<128x128xf32, #tpu.memory_space<vmem>>) offsets(%dma_start3A_32 : memref<128xi32, #tpu.memory_space<vmem>>) semaphore(%arg14 : memref<!tpu.dma_semaphore, #tpu.memory_space<semaphore_mem>>)
    %dma_start3A_36 = arith.constant 3 : i32
    %dma_start3A_37 = arith.constant 3 : i32
    %dma_start3A_38 = arith.constant 0 : i32
    %dma_start3A_39 = arith.constant 0 : i32
    %dma_start3A_40 = tpu.memref_slice %arg13[%dma_start3A_37, %dma_start3A_38, %dma_start3A_39] : memref<4x128x128xf32, #tpu.memory_space<vmem>> -> memref<1x128x128xf32, #tpu.memory_space<vmem>>
    %dma_start3A_41 = tpu.memref_squeeze %dma_start3A_40 : memref<1x128x128xf32, #tpu.memory_space<vmem>> -> memref<128x128xf32, #tpu.memory_space<vmem>>
    %dma_start3A_42 = arith.constant 0 : i32
    %dma_start3A_43 = tpu.memref_slice %arg10[%dma_start3A_36, %dma_start3A_42] : memref<4x128xi32, #tpu.memory_space<vmem>> -> memref<1x128xi32, #tpu.memory_space<vmem>>
    %dma_start3A_44 = tpu.memref_squeeze %dma_start3A_43 : memref<1x128xi32, #tpu.memory_space<vmem>> -> memref<128xi32, #tpu.memory_space<vmem>>
    %dma_start3A_45 = arith.constant 0 : i32
    %dma_start3A_46 = arith.constant 0 : i32
    %dma_start3A_47 = tpu.memref_slice %arg5[%dma_start3A_45, %dma_start3A_46] : memref<100000x128xf32, #tpu.memory_space<hbm>> -> memref<100000x128xf32, #tpu.memory_space<hbm>>
    tpu.enqueue_indirect_dma source(%dma_start3A_47 : memref<100000x128xf32, #tpu.memory_space<hbm>>) target(%dma_start3A_41 : memref<128x128xf32, #tpu.memory_space<vmem>>) offsets(%dma_start3A_44 : memref<128xi32, #tpu.memory_space<vmem>>) semaphore(%arg14 : memref<!tpu.dma_semaphore, #tpu.memory_space<semaphore_mem>>)
    %dma_wait3A = arith.constant 0 : i32
    %dma_wait3A_48 = arith.constant 0 : i32
    %dma_wait3A_49 = arith.constant 0 : i32
    %dma_wait3A_50 = arith.constant 0 : i32
    %dma_wait3A_51 = tpu.memref_slice %arg13[%dma_wait3A_48, %dma_wait3A_49, %dma_wait3A_50] : memref<4x128x128xf32, #tpu.memory_space<vmem>> -> memref<1x128x128xf32, #tpu.memory_space<vmem>>
    %dma_wait3A_52 = tpu.memref_squeeze %dma_wait3A_51 : memref<1x128x128xf32, #tpu.memory_space<vmem>> -> memref<128x128xf32, #tpu.memory_space<vmem>>
    %dma_wait3A_53 = arith.constant 0 : i32
    %dma_wait3A_54 = tpu.memref_slice %arg10[%dma_wait3A, %dma_wait3A_53] : memref<4x128xi32, #tpu.memory_space<vmem>> -> memref<1x128xi32, #tpu.memory_space<vmem>>
    %dma_wait3A_55 = tpu.memref_squeeze %dma_wait3A_54 : memref<1x128xi32, #tpu.memory_space<vmem>> -> memref<128xi32, #tpu.memory_space<vmem>>
    %dma_wait3A_56 = arith.constant 0 : i32
    %dma_wait3A_57 = arith.constant 0 : i32
    %dma_wait3A_58 = tpu.memref_slice %arg5[%dma_wait3A_56, %dma_wait3A_57] : memref<100000x128xf32, #tpu.memory_space<hbm>> -> memref<100000x128xf32, #tpu.memory_space<hbm>>
    tpu.wait_indirect_dma semaphore(%arg14 : memref<!tpu.dma_semaphore, #tpu.memory_space<semaphore_mem>>) src(%dma_wait3A_58 : memref<100000x128xf32, #tpu.memory_space<hbm>>) dst(%dma_wait3A_52 : memref<128x128xf32, #tpu.memory_space<vmem>>)
    %mul3A_59 = arith.constant 4 : i32
    %mul3A_60 = arith.muli %add3A, %mul3A_59 : i32
    %add3A_61 = arith.constant 0 : i32
    %add3A_62 = arith.addi %mul3A_60, %add3A_61 : i32
    %mul3A_63 = arith.constant 128 : i32
    %mul3A_64 = arith.muli %add3A_62, %mul3A_63 : i32
    %run_scoped3A = arith.constant 0 : i32
    "tpu.region"() ({
      %run_scoped3A_252 = tpu.sem_alloc : memref<!tpu.dma_semaphore, #tpu.memory_space<semaphore_mem>>
      %dma_start3A_253 = arith.constant 0 : i32
      %dma_start3A_254 = arith.constant 0 : i32
      %dma_start3A_255 = tpu.memref_slice %arg13[%run_scoped3A, %dma_start3A_253, %dma_start3A_254] : memref<4x128x128xf32, #tpu.memory_space<vmem>> -> memref<1x128x128xf32, #tpu.memory_space<vmem>>
      %dma_start3A_256 = tpu.memref_squeeze %dma_start3A_255 : memref<1x128x128xf32, #tpu.memory_space<vmem>> -> memref<128x128xf32, #tpu.memory_space<vmem>>
      %dma_start3A_257 = arith.constant 0 : i32
      %dma_start3A_258 = tpu.memref_slice %arg7[%mul3A_64, %dma_start3A_257] : memref<16384x128xf32, #tpu.memory_space<hbm>> -> memref<128x128xf32, #tpu.memory_space<hbm>>
      %dma_start3A_259 = arith.constant 0 : i32
      %dma_start3A_260 = tpu.memref_slice %arg7[%mul3A_64, %dma_start3A_259] : memref<16384x128xf32, #tpu.memory_space<hbm>> -> memref<128x128xf32, #tpu.memory_space<hbm>>
      %dma_start3A_261 = arith.constant 0 : i32
      %dma_start3A_262 = arith.constant 0 : i32
      %dma_start3A_263 = tpu.memref_slice %arg13[%run_scoped3A, %dma_start3A_261, %dma_start3A_262] : memref<4x128x128xf32, #tpu.memory_space<vmem>> -> memref<1x128x128xf32, #tpu.memory_space<vmem>>
      %dma_start3A_264 = tpu.memref_squeeze %dma_start3A_263 : memref<1x128x128xf32, #tpu.memory_space<vmem>> -> memref<128x128xf32, #tpu.memory_space<vmem>>
      tpu.enqueue_dma source(%dma_start3A_264 : memref<128x128xf32, #tpu.memory_space<vmem>>) target(%dma_start3A_260 : memref<128x128xf32, #tpu.memory_space<hbm>>) target_semaphore(%run_scoped3A_252 : memref<!tpu.dma_semaphore, #tpu.memory_space<semaphore_mem>>)
      %dma_wait3A_265 = arith.constant 0 : i32
      %dma_wait3A_266 = arith.constant 0 : i32
      %dma_wait3A_267 = tpu.memref_slice %arg13[%run_scoped3A, %dma_wait3A_265, %dma_wait3A_266] : memref<4x128x128xf32, #tpu.memory_space<vmem>> -> memref<1x128x128xf32, #tpu.memory_space<vmem>>
      %dma_wait3A_268 = tpu.memref_squeeze %dma_wait3A_267 : memref<1x128x128xf32, #tpu.memory_space<vmem>> -> memref<128x128xf32, #tpu.memory_space<vmem>>
      %dma_wait3A_269 = arith.constant 0 : i32
      %dma_wait3A_270 = tpu.memref_slice %arg7[%mul3A_64, %dma_wait3A_269] : memref<16384x128xf32, #tpu.memory_space<hbm>> -> memref<128x128xf32, #tpu.memory_space<hbm>>
      %dma_wait3A_271 = arith.constant 0 : i32
      %dma_wait3A_272 = tpu.memref_slice %arg7[%mul3A_64, %dma_wait3A_271] : memref<16384x128xf32, #tpu.memory_space<hbm>> -> memref<128x128xf32, #tpu.memory_space<hbm>>
      %dma_wait3A_273 = arith.constant 0 : i32
      %dma_wait3A_274 = arith.constant 0 : i32
      %dma_wait3A_275 = tpu.memref_slice %arg13[%run_scoped3A, %dma_wait3A_273, %dma_wait3A_274] : memref<4x128x128xf32, #tpu.memory_space<vmem>> -> memref<1x128x128xf32, #tpu.memory_space<vmem>>
      %dma_wait3A_276 = tpu.memref_squeeze %dma_wait3A_275 : memref<1x128x128xf32, #tpu.memory_space<vmem>> -> memref<128x128xf32, #tpu.memory_space<vmem>>
      tpu.wait_dma2 semaphore(%run_scoped3A_252 : memref<!tpu.dma_semaphore, #tpu.memory_space<semaphore_mem>>) src(%dma_wait3A_276 : memref<128x128xf32, #tpu.memory_space<vmem>>) dst(%dma_wait3A_272 : memref<128x128xf32, #tpu.memory_space<hbm>>)
      tpu.yield
    }) : () -> ()
    %dma_wait3A_65 = arith.constant 1 : i32
    %dma_wait3A_66 = arith.constant 1 : i32
    %dma_wait3A_67 = arith.constant 0 : i32
    %dma_wait3A_68 = arith.constant 0 : i32
    %dma_wait3A_69 = tpu.memref_slice %arg13[%dma_wait3A_66, %dma_wait3A_67, %dma_wait3A_68] : memref<4x128x128xf32, #tpu.memory_space<vmem>> -> memref<1x128x128xf32, #tpu.memory_space<vmem>>
    %dma_wait3A_70 = tpu.memref_squeeze %dma_wait3A_69 : memref<1x128x128xf32, #tpu.memory_space<vmem>> -> memref<128x128xf32, #tpu.memory_space<vmem>>
    %dma_wait3A_71 = arith.constant 0 : i32
    %dma_wait3A_72 = tpu.memref_slice %arg10[%dma_wait3A_65, %dma_wait3A_71] : memref<4x128xi32, #tpu.memory_space<vmem>> -> memref<1x128xi32, #tpu.memory_space<vmem>>
    %dma_wait3A_73 = tpu.memref_squeeze %dma_wait3A_72 : memref<1x128xi32, #tpu.memory_space<vmem>> -> memref<128xi32, #tpu.memory_space<vmem>>
    %dma_wait3A_74 = arith.constant 0 : i32
    %dma_wait3A_75 = arith.constant 0 : i32
    %dma_wait3A_76 = tpu.memref_slice %arg5[%dma_wait3A_74, %dma_wait3A_75] : memref<100000x128xf32, #tpu.memory_space<hbm>> -> memref<100000x128xf32, #tpu.memory_space<hbm>>
    tpu.wait_indirect_dma semaphore(%arg14 : memref<!tpu.dma_semaphore, #tpu.memory_space<semaphore_mem>>) src(%dma_wait3A_76 : memref<100000x128xf32, #tpu.memory_space<hbm>>) dst(%dma_wait3A_70 : memref<128x128xf32, #tpu.memory_space<vmem>>)
    %mul3A_77 = arith.constant 4 : i32
    %mul3A_78 = arith.muli %add3A, %mul3A_77 : i32
    %add3A_79 = arith.constant 1 : i32
    %add3A_80 = arith.addi %mul3A_78, %add3A_79 : i32
    %mul3A_81 = arith.constant 128 : i32
    %mul3A_82 = arith.muli %add3A_80, %mul3A_81 : i32
    %run_scoped3A_83 = arith.constant 1 : i32
    "tpu.region"() ({
      %run_scoped3A_252 = tpu.sem_alloc : memref<!tpu.dma_semaphore, #tpu.memory_space<semaphore_mem>>
      %dma_start3A_253 = arith.constant 0 : i32
      %dma_start3A_254 = arith.constant 0 : i32
      %dma_start3A_255 = tpu.memref_slice %arg13[%run_scoped3A_83, %dma_start3A_253, %dma_start3A_254] : memref<4x128x128xf32, #tpu.memory_space<vmem>> -> memref<1x128x128xf32, #tpu.memory_space<vmem>>
      %dma_start3A_256 = tpu.memref_squeeze %dma_start3A_255 : memref<1x128x128xf32, #tpu.memory_space<vmem>> -> memref<128x128xf32, #tpu.memory_space<vmem>>
      %dma_start3A_257 = arith.constant 0 : i32
      %dma_start3A_258 = tpu.memref_slice %arg7[%mul3A_82, %dma_start3A_257] : memref<16384x128xf32, #tpu.memory_space<hbm>> -> memref<128x128xf32, #tpu.memory_space<hbm>>
      %dma_start3A_259 = arith.constant 0 : i32
      %dma_start3A_260 = tpu.memref_slice %arg7[%mul3A_82, %dma_start3A_259] : memref<16384x128xf32, #tpu.memory_space<hbm>> -> memref<128x128xf32, #tpu.memory_space<hbm>>
      %dma_start3A_261 = arith.constant 0 : i32
      %dma_start3A_262 = arith.constant 0 : i32
      %dma_start3A_263 = tpu.memref_slice %arg13[%run_scoped3A_83, %dma_start3A_261, %dma_start3A_262] : memref<4x128x128xf32, #tpu.memory_space<vmem>> -> memref<1x128x128xf32, #tpu.memory_space<vmem>>
      %dma_start3A_264 = tpu.memref_squeeze %dma_start3A_263 : memref<1x128x128xf32, #tpu.memory_space<vmem>> -> memref<128x128xf32, #tpu.memory_space<vmem>>
      tpu.enqueue_dma source(%dma_start3A_264 : memref<128x128xf32, #tpu.memory_space<vmem>>) target(%dma_start3A_260 : memref<128x128xf32, #tpu.memory_space<hbm>>) target_semaphore(%run_scoped3A_252 : memref<!tpu.dma_semaphore, #tpu.memory_space<semaphore_mem>>)
      %dma_wait3A_265 = arith.constant 0 : i32
      %dma_wait3A_266 = arith.constant 0 : i32
      %dma_wait3A_267 = tpu.memref_slice %arg13[%run_scoped3A_83, %dma_wait3A_265, %dma_wait3A_266] : memref<4x128x128xf32, #tpu.memory_space<vmem>> -> memref<1x128x128xf32, #tpu.memory_space<vmem>>
      %dma_wait3A_268 = tpu.memref_squeeze %dma_wait3A_267 : memref<1x128x128xf32, #tpu.memory_space<vmem>> -> memref<128x128xf32, #tpu.memory_space<vmem>>
      %dma_wait3A_269 = arith.constant 0 : i32
      %dma_wait3A_270 = tpu.memref_slice %arg7[%mul3A_82, %dma_wait3A_269] : memref<16384x128xf32, #tpu.memory_space<hbm>> -> memref<128x128xf32, #tpu.memory_space<hbm>>
      %dma_wait3A_271 = arith.constant 0 : i32
      %dma_wait3A_272 = tpu.memref_slice %arg7[%mul3A_82, %dma_wait3A_271] : memref<16384x128xf32, #tpu.memory_space<hbm>> -> memref<128x128xf32, #tpu.memory_space<hbm>>
      %dma_wait3A_273 = arith.constant 0 : i32
      %dma_wait3A_274 = arith.constant 0 : i32
      %dma_wait3A_275 = tpu.memref_slice %arg13[%run_scoped3A_83, %dma_wait3A_273, %dma_wait3A_274] : memref<4x128x128xf32, #tpu.memory_space<vmem>> -> memref<1x128x128xf32, #tpu.memory_space<vmem>>
      %dma_wait3A_276 = tpu.memref_squeeze %dma_wait3A_275 : memref<1x128x128xf32, #tpu.memory_space<vmem>> -> memref<128x128xf32, #tpu.memory_space<vmem>>
      tpu.wait_dma2 semaphore(%run_scoped3A_252 : memref<!tpu.dma_semaphore, #tpu.memory_space<semaphore_mem>>) src(%dma_wait3A_276 : memref<128x128xf32, #tpu.memory_space<vmem>>) dst(%dma_wait3A_272 : memref<128x128xf32, #tpu.memory_space<hbm>>)
      tpu.yield
    }) : () -> ()
    %dma_wait3A_84 = arith.constant 2 : i32
    %dma_wait3A_85 = arith.constant 2 : i32
    %dma_wait3A_86 = arith.constant 0 : i32
    %dma_wait3A_87 = arith.constant 0 : i32
    %dma_wait3A_88 = tpu.memref_slice %arg13[%dma_wait3A_85, %dma_wait3A_86, %dma_wait3A_87] : memref<4x128x128xf32, #tpu.memory_space<vmem>> -> memref<1x128x128xf32, #tpu.memory_space<vmem>>
    %dma_wait3A_89 = tpu.memref_squeeze %dma_wait3A_88 : memref<1x128x128xf32, #tpu.memory_space<vmem>> -> memref<128x128xf32, #tpu.memory_space<vmem>>
    %dma_wait3A_90 = arith.constant 0 : i32
    %dma_wait3A_91 = tpu.memref_slice %arg10[%dma_wait3A_84, %dma_wait3A_90] : memref<4x128xi32, #tpu.memory_space<vmem>> -> memref<1x128xi32, #tpu.memory_space<vmem>>
    %dma_wait3A_92 = tpu.memref_squeeze %dma_wait3A_91 : memref<1x128xi32, #tpu.memory_space<vmem>> -> memref<128xi32, #tpu.memory_space<vmem>>
    %dma_wait3A_93 = arith.constant 0 : i32
    %dma_wait3A_94 = arith.constant 0 : i32
    %dma_wait3A_95 = tpu.memref_slice %arg5[%dma_wait3A_93, %dma_wait3A_94] : memref<100000x128xf32, #tpu.memory_space<hbm>> -> memref<100000x128xf32, #tpu.memory_space<hbm>>
    tpu.wait_indirect_dma semaphore(%arg14 : memref<!tpu.dma_semaphore, #tpu.memory_space<semaphore_mem>>) src(%dma_wait3A_95 : memref<100000x128xf32, #tpu.memory_space<hbm>>) dst(%dma_wait3A_89 : memref<128x128xf32, #tpu.memory_space<vmem>>)
    %mul3A_96 = arith.constant 4 : i32
    %mul3A_97 = arith.muli %add3A, %mul3A_96 : i32
    %add3A_98 = arith.constant 2 : i32
    %add3A_99 = arith.addi %mul3A_97, %add3A_98 : i32
    %mul3A_100 = arith.constant 128 : i32
    %mul3A_101 = arith.muli %add3A_99, %mul3A_100 : i32
    %run_scoped3A_102 = arith.constant 2 : i32
    "tpu.region"() ({
      %run_scoped3A_252 = tpu.sem_alloc : memref<!tpu.dma_semaphore, #tpu.memory_space<semaphore_mem>>
      %dma_start3A_253 = arith.constant 0 : i32
      %dma_start3A_254 = arith.constant 0 : i32
      %dma_start3A_255 = tpu.memref_slice %arg13[%run_scoped3A_102, %dma_start3A_253, %dma_start3A_254] : memref<4x128x128xf32, #tpu.memory_space<vmem>> -> memref<1x128x128xf32, #tpu.memory_space<vmem>>
      %dma_start3A_256 = tpu.memref_squeeze %dma_start3A_255 : memref<1x128x128xf32, #tpu.memory_space<vmem>> -> memref<128x128xf32, #tpu.memory_space<vmem>>
      %dma_start3A_257 = arith.constant 0 : i32
      %dma_start3A_258 = tpu.memref_slice %arg7[%mul3A_101, %dma_start3A_257] : memref<16384x128xf32, #tpu.memory_space<hbm>> -> memref<128x128xf32, #tpu.memory_space<hbm>>
      %dma_start3A_259 = arith.constant 0 : i32
      %dma_start3A_260 = tpu.memref_slice %arg7[%mul3A_101, %dma_start3A_259] : memref<16384x128xf32, #tpu.memory_space<hbm>> -> memref<128x128xf32, #tpu.memory_space<hbm>>
      %dma_start3A_261 = arith.constant 0 : i32
      %dma_start3A_262 = arith.constant 0 : i32
      %dma_start3A_263 = tpu.memref_slice %arg13[%run_scoped3A_102, %dma_start3A_261, %dma_start3A_262] : memref<4x128x128xf32, #tpu.memory_space<vmem>> -> memref<1x128x128xf32, #tpu.memory_space<vmem>>
      %dma_start3A_264 = tpu.memref_squeeze %dma_start3A_263 : memref<1x128x128xf32, #tpu.memory_space<vmem>> -> memref<128x128xf32, #tpu.memory_space<vmem>>
      tpu.enqueue_dma source(%dma_start3A_264 : memref<128x128xf32, #tpu.memory_space<vmem>>) target(%dma_start3A_260 : memref<128x128xf32, #tpu.memory_space<hbm>>) target_semaphore(%run_scoped3A_252 : memref<!tpu.dma_semaphore, #tpu.memory_space<semaphore_mem>>)
      %dma_wait3A_265 = arith.constant 0 : i32
      %dma_wait3A_266 = arith.constant 0 : i32
      %dma_wait3A_267 = tpu.memref_slice %arg13[%run_scoped3A_102, %dma_wait3A_265, %dma_wait3A_266] : memref<4x128x128xf32, #tpu.memory_space<vmem>> -> memref<1x128x128xf32, #tpu.memory_space<vmem>>
      %dma_wait3A_268 = tpu.memref_squeeze %dma_wait3A_267 : memref<1x128x128xf32, #tpu.memory_space<vmem>> -> memref<128x128xf32, #tpu.memory_space<vmem>>
      %dma_wait3A_269 = arith.constant 0 : i32
      %dma_wait3A_270 = tpu.memref_slice %arg7[%mul3A_101, %dma_wait3A_269] : memref<16384x128xf32, #tpu.memory_space<hbm>> -> memref<128x128xf32, #tpu.memory_space<hbm>>
      %dma_wait3A_271 = arith.constant 0 : i32
      %dma_wait3A_272 = tpu.memref_slice %arg7[%mul3A_101, %dma_wait3A_271] : memref<16384x128xf32, #tpu.memory_space<hbm>> -> memref<128x128xf32, #tpu.memory_space<hbm>>
      %dma_wait3A_273 = arith.constant 0 : i32
      %dma_wait3A_274 = arith.constant 0 : i32
      %dma_wait3A_275 = tpu.memref_slice %arg13[%run_scoped3A_102, %dma_wait3A_273, %dma_wait3A_274] : memref<4x128x128xf32, #tpu.memory_space<vmem>> -> memref<1x128x128xf32, #tpu.memory_space<vmem>>
      %dma_wait3A_276 = tpu.memref_squeeze %dma_wait3A_275 : memref<1x128x128xf32, #tpu.memory_space<vmem>> -> memref<128x128xf32, #tpu.memory_space<vmem>>
      tpu.wait_dma2 semaphore(%run_scoped3A_252 : memref<!tpu.dma_semaphore, #tpu.memory_space<semaphore_mem>>) src(%dma_wait3A_276 : memref<128x128xf32, #tpu.memory_space<vmem>>) dst(%dma_wait3A_272 : memref<128x128xf32, #tpu.memory_space<hbm>>)
      tpu.yield
    }) : () -> ()
    %dma_wait3A_103 = arith.constant 3 : i32
    %dma_wait3A_104 = arith.constant 3 : i32
    %dma_wait3A_105 = arith.constant 0 : i32
    %dma_wait3A_106 = arith.constant 0 : i32
    %dma_wait3A_107 = tpu.memref_slice %arg13[%dma_wait3A_104, %dma_wait3A_105, %dma_wait3A_106] : memref<4x128x128xf32, #tpu.memory_space<vmem>> -> memref<1x128x128xf32, #tpu.memory_space<vmem>>
    %dma_wait3A_108 = tpu.memref_squeeze %dma_wait3A_107 : memref<1x128x128xf32, #tpu.memory_space<vmem>> -> memref<128x128xf32, #tpu.memory_space<vmem>>
    %dma_wait3A_109 = arith.constant 0 : i32
    %dma_wait3A_110 = tpu.memref_slice %arg10[%dma_wait3A_103, %dma_wait3A_109] : memref<4x128xi32, #tpu.memory_space<vmem>> -> memref<1x128xi32, #tpu.memory_space<vmem>>
    %dma_wait3A_111 = tpu.memref_squeeze %dma_wait3A_110 : memref<1x128xi32, #tpu.memory_space<vmem>> -> memref<128xi32, #tpu.memory_space<vmem>>
    %dma_wait3A_112 = arith.constant 0 : i32
    %dma_wait3A_113 = arith.constant 0 : i32
    %dma_wait3A_114 = tpu.memref_slice %arg5[%dma_wait3A_112, %dma_wait3A_113] : memref<100000x128xf32, #tpu.memory_space<hbm>> -> memref<100000x128xf32, #tpu.memory_space<hbm>>
    tpu.wait_indirect_dma semaphore(%arg14 : memref<!tpu.dma_semaphore, #tpu.memory_space<semaphore_mem>>) src(%dma_wait3A_114 : memref<100000x128xf32, #tpu.memory_space<hbm>>) dst(%dma_wait3A_108 : memref<128x128xf32, #tpu.memory_space<vmem>>)
    %mul3A_115 = arith.constant 4 : i32
    %mul3A_116 = arith.muli %add3A, %mul3A_115 : i32
    %add3A_117 = arith.constant 3 : i32
    %add3A_118 = arith.addi %mul3A_116, %add3A_117 : i32
    %mul3A_119 = arith.constant 128 : i32
    %mul3A_120 = arith.muli %add3A_118, %mul3A_119 : i32
    %run_scoped3A_121 = arith.constant 3 : i32
    "tpu.region"() ({
      %run_scoped3A_252 = tpu.sem_alloc : memref<!tpu.dma_semaphore, #tpu.memory_space<semaphore_mem>>
      %dma_start3A_253 = arith.constant 0 : i32
      %dma_start3A_254 = arith.constant 0 : i32
      %dma_start3A_255 = tpu.memref_slice %arg13[%run_scoped3A_121, %dma_start3A_253, %dma_start3A_254] : memref<4x128x128xf32, #tpu.memory_space<vmem>> -> memref<1x128x128xf32, #tpu.memory_space<vmem>>
      %dma_start3A_256 = tpu.memref_squeeze %dma_start3A_255 : memref<1x128x128xf32, #tpu.memory_space<vmem>> -> memref<128x128xf32, #tpu.memory_space<vmem>>
      %dma_start3A_257 = arith.constant 0 : i32
      %dma_start3A_258 = tpu.memref_slice %arg7[%mul3A_120, %dma_start3A_257] : memref<16384x128xf32, #tpu.memory_space<hbm>> -> memref<128x128xf32, #tpu.memory_space<hbm>>
      %dma_start3A_259 = arith.constant 0 : i32
      %dma_start3A_260 = tpu.memref_slice %arg7[%mul3A_120, %dma_start3A_259] : memref<16384x128xf32, #tpu.memory_space<hbm>> -> memref<128x128xf32, #tpu.memory_space<hbm>>
      %dma_start3A_261 = arith.constant 0 : i32
      %dma_start3A_262 = arith.constant 0 : i32
      %dma_start3A_263 = tpu.memref_slice %arg13[%run_scoped3A_121, %dma_start3A_261, %dma_start3A_262] : memref<4x128x128xf32, #tpu.memory_space<vmem>> -> memref<1x128x128xf32, #tpu.memory_space<vmem>>
      %dma_start3A_264 = tpu.memref_squeeze %dma_start3A_263 : memref<1x128x128xf32, #tpu.memory_space<vmem>> -> memref<128x128xf32, #tpu.memory_space<vmem>>
      tpu.enqueue_dma source(%dma_start3A_264 : memref<128x128xf32, #tpu.memory_space<vmem>>) target(%dma_start3A_260 : memref<128x128xf32, #tpu.memory_space<hbm>>) target_semaphore(%run_scoped3A_252 : memref<!tpu.dma_semaphore, #tpu.memory_space<semaphore_mem>>)
      %dma_wait3A_265 = arith.constant 0 : i32
      %dma_wait3A_266 = arith.constant 0 : i32
      %dma_wait3A_267 = tpu.memref_slice %arg13[%run_scoped3A_121, %dma_wait3A_265, %dma_wait3A_266] : memref<4x128x128xf32, #tpu.memory_space<vmem>> -> memref<1x128x128xf32, #tpu.memory_space<vmem>>
      %dma_wait3A_268 = tpu.memref_squeeze %dma_wait3A_267 : memref<1x128x128xf32, #tpu.memory_space<vmem>> -> memref<128x128xf32, #tpu.memory_space<vmem>>
      %dma_wait3A_269 = arith.constant 0 : i32
      %dma_wait3A_270 = tpu.memref_slice %arg7[%mul3A_120, %dma_wait3A_269] : memref<16384x128xf32, #tpu.memory_space<hbm>> -> memref<128x128xf32, #tpu.memory_space<hbm>>
      %dma_wait3A_271 = arith.constant 0 : i32
      %dma_wait3A_272 = tpu.memref_slice %arg7[%mul3A_120, %dma_wait3A_271] : memref<16384x128xf32, #tpu.memory_space<hbm>> -> memref<128x128xf32, #tpu.memory_space<hbm>>
      %dma_wait3A_273 = arith.constant 0 : i32
      %dma_wait3A_274 = arith.constant 0 : i32
      %dma_wait3A_275 = tpu.memref_slice %arg13[%run_scoped3A_121, %dma_wait3A_273, %dma_wait3A_274] : memref<4x128x128xf32, #tpu.memory_space<vmem>> -> memref<1x128x128xf32, #tpu.memory_space<vmem>>
      %dma_wait3A_276 = tpu.memref_squeeze %dma_wait3A_275 : memref<1x128x128xf32, #tpu.memory_space<vmem>> -> memref<128x128xf32, #tpu.memory_space<vmem>>
      tpu.wait_dma2 semaphore(%run_scoped3A_252 : memref<!tpu.dma_semaphore, #tpu.memory_space<semaphore_mem>>) src(%dma_wait3A_276 : memref<128x128xf32, #tpu.memory_space<vmem>>) dst(%dma_wait3A_272 : memref<128x128xf32, #tpu.memory_space<hbm>>)
      tpu.yield
    }) : () -> ()
    %dma_start3A_122 = arith.constant 0 : i32
    %dma_start3A_123 = arith.constant 0 : i32
    %dma_start3A_124 = arith.constant 0 : i32
    %dma_start3A_125 = arith.constant 0 : i32
    %dma_start3A_126 = tpu.memref_slice %arg13[%dma_start3A_123, %dma_start3A_124, %dma_start3A_125] : memref<4x128x128xf32, #tpu.memory_space<vmem>> -> memref<1x128x128xf32, #tpu.memory_space<vmem>>
    %dma_start3A_127 = tpu.memref_squeeze %dma_start3A_126 : memref<1x128x128xf32, #tpu.memory_space<vmem>> -> memref<128x128xf32, #tpu.memory_space<vmem>>
    %dma_start3A_128 = arith.constant 0 : i32
    %dma_start3A_129 = tpu.memref_slice %arg11[%dma_start3A_122, %dma_start3A_128] : memref<4x128xi32, #tpu.memory_space<vmem>> -> memref<1x128xi32, #tpu.memory_space<vmem>>
    %dma_start3A_130 = tpu.memref_squeeze %dma_start3A_129 : memref<1x128xi32, #tpu.memory_space<vmem>> -> memref<128xi32, #tpu.memory_space<vmem>>
    %dma_start3A_131 = arith.constant 0 : i32
    %dma_start3A_132 = arith.constant 0 : i32
    %dma_start3A_133 = tpu.memref_slice %arg6[%dma_start3A_131, %dma_start3A_132] : memref<100000x128xf32, #tpu.memory_space<hbm>> -> memref<100000x128xf32, #tpu.memory_space<hbm>>
    tpu.enqueue_indirect_dma source(%dma_start3A_133 : memref<100000x128xf32, #tpu.memory_space<hbm>>) target(%dma_start3A_127 : memref<128x128xf32, #tpu.memory_space<vmem>>) offsets(%dma_start3A_130 : memref<128xi32, #tpu.memory_space<vmem>>) semaphore(%arg14 : memref<!tpu.dma_semaphore, #tpu.memory_space<semaphore_mem>>)
    %dma_start3A_134 = arith.constant 1 : i32
    %dma_start3A_135 = arith.constant 1 : i32
    %dma_start3A_136 = arith.constant 0 : i32
    %dma_start3A_137 = arith.constant 0 : i32
    %dma_start3A_138 = tpu.memref_slice %arg13[%dma_start3A_135, %dma_start3A_136, %dma_start3A_137] : memref<4x128x128xf32, #tpu.memory_space<vmem>> -> memref<1x128x128xf32, #tpu.memory_space<vmem>>
    %dma_start3A_139 = tpu.memref_squeeze %dma_start3A_138 : memref<1x128x128xf32, #tpu.memory_space<vmem>> -> memref<128x128xf32, #tpu.memory_space<vmem>>
    %dma_start3A_140 = arith.constant 0 : i32
    %dma_start3A_141 = tpu.memref_slice %arg11[%dma_start3A_134, %dma_start3A_140] : memref<4x128xi32, #tpu.memory_space<vmem>> -> memref<1x128xi32, #tpu.memory_space<vmem>>
    %dma_start3A_142 = tpu.memref_squeeze %dma_start3A_141 : memref<1x128xi32, #tpu.memory_space<vmem>> -> memref<128xi32, #tpu.memory_space<vmem>>
    %dma_start3A_143 = arith.constant 0 : i32
    %dma_start3A_144 = arith.constant 0 : i32
    %dma_start3A_145 = tpu.memref_slice %arg6[%dma_start3A_143, %dma_start3A_144] : memref<100000x128xf32, #tpu.memory_space<hbm>> -> memref<100000x128xf32, #tpu.memory_space<hbm>>
    tpu.enqueue_indirect_dma source(%dma_start3A_145 : memref<100000x128xf32, #tpu.memory_space<hbm>>) target(%dma_start3A_139 : memref<128x128xf32, #tpu.memory_space<vmem>>) offsets(%dma_start3A_142 : memref<128xi32, #tpu.memory_space<vmem>>) semaphore(%arg14 : memref<!tpu.dma_semaphore, #tpu.memory_space<semaphore_mem>>)
    %dma_start3A_146 = arith.constant 2 : i32
    %dma_start3A_147 = arith.constant 2 : i32
    %dma_start3A_148 = arith.constant 0 : i32
    %dma_start3A_149 = arith.constant 0 : i32
    %dma_start3A_150 = tpu.memref_slice %arg13[%dma_start3A_147, %dma_start3A_148, %dma_start3A_149] : memref<4x128x128xf32, #tpu.memory_space<vmem>> -> memref<1x128x128xf32, #tpu.memory_space<vmem>>
    %dma_start3A_151 = tpu.memref_squeeze %dma_start3A_150 : memref<1x128x128xf32, #tpu.memory_space<vmem>> -> memref<128x128xf32, #tpu.memory_space<vmem>>
    %dma_start3A_152 = arith.constant 0 : i32
    %dma_start3A_153 = tpu.memref_slice %arg11[%dma_start3A_146, %dma_start3A_152] : memref<4x128xi32, #tpu.memory_space<vmem>> -> memref<1x128xi32, #tpu.memory_space<vmem>>
    %dma_start3A_154 = tpu.memref_squeeze %dma_start3A_153 : memref<1x128xi32, #tpu.memory_space<vmem>> -> memref<128xi32, #tpu.memory_space<vmem>>
    %dma_start3A_155 = arith.constant 0 : i32
    %dma_start3A_156 = arith.constant 0 : i32
    %dma_start3A_157 = tpu.memref_slice %arg6[%dma_start3A_155, %dma_start3A_156] : memref<100000x128xf32, #tpu.memory_space<hbm>> -> memref<100000x128xf32, #tpu.memory_space<hbm>>
    tpu.enqueue_indirect_dma source(%dma_start3A_157 : memref<100000x128xf32, #tpu.memory_space<hbm>>) target(%dma_start3A_151 : memref<128x128xf32, #tpu.memory_space<vmem>>) offsets(%dma_start3A_154 : memref<128xi32, #tpu.memory_space<vmem>>) semaphore(%arg14 : memref<!tpu.dma_semaphore, #tpu.memory_space<semaphore_mem>>)
    %dma_start3A_158 = arith.constant 3 : i32
    %dma_start3A_159 = arith.constant 3 : i32
    %dma_start3A_160 = arith.constant 0 : i32
    %dma_start3A_161 = arith.constant 0 : i32
    %dma_start3A_162 = tpu.memref_slice %arg13[%dma_start3A_159, %dma_start3A_160, %dma_start3A_161] : memref<4x128x128xf32, #tpu.memory_space<vmem>> -> memref<1x128x128xf32, #tpu.memory_space<vmem>>
    %dma_start3A_163 = tpu.memref_squeeze %dma_start3A_162 : memref<1x128x128xf32, #tpu.memory_space<vmem>> -> memref<128x128xf32, #tpu.memory_space<vmem>>
    %dma_start3A_164 = arith.constant 0 : i32
    %dma_start3A_165 = tpu.memref_slice %arg11[%dma_start3A_158, %dma_start3A_164] : memref<4x128xi32, #tpu.memory_space<vmem>> -> memref<1x128xi32, #tpu.memory_space<vmem>>
    %dma_start3A_166 = tpu.memref_squeeze %dma_start3A_165 : memref<1x128xi32, #tpu.memory_space<vmem>> -> memref<128xi32, #tpu.memory_space<vmem>>
    %dma_start3A_167 = arith.constant 0 : i32
    %dma_start3A_168 = arith.constant 0 : i32
    %dma_start3A_169 = tpu.memref_slice %arg6[%dma_start3A_167, %dma_start3A_168] : memref<100000x128xf32, #tpu.memory_space<hbm>> -> memref<100000x128xf32, #tpu.memory_space<hbm>>
    tpu.enqueue_indirect_dma source(%dma_start3A_169 : memref<100000x128xf32, #tpu.memory_space<hbm>>) target(%dma_start3A_163 : memref<128x128xf32, #tpu.memory_space<vmem>>) offsets(%dma_start3A_166 : memref<128xi32, #tpu.memory_space<vmem>>) semaphore(%arg14 : memref<!tpu.dma_semaphore, #tpu.memory_space<semaphore_mem>>)
    %dma_wait3A_170 = arith.constant 0 : i32
    %dma_wait3A_171 = arith.constant 0 : i32
    %dma_wait3A_172 = arith.constant 0 : i32
    %dma_wait3A_173 = arith.constant 0 : i32
    %dma_wait3A_174 = tpu.memref_slice %arg13[%dma_wait3A_171, %dma_wait3A_172, %dma_wait3A_173] : memref<4x128x128xf32, #tpu.memory_space<vmem>> -> memref<1x128x128xf32, #tpu.memory_space<vmem>>
    %dma_wait3A_175 = tpu.memref_squeeze %dma_wait3A_174 : memref<1x128x128xf32, #tpu.memory_space<vmem>> -> memref<128x128xf32, #tpu.memory_space<vmem>>
    %dma_wait3A_176 = arith.constant 0 : i32
    %dma_wait3A_177 = tpu.memref_slice %arg11[%dma_wait3A_170, %dma_wait3A_176] : memref<4x128xi32, #tpu.memory_space<vmem>> -> memref<1x128xi32, #tpu.memory_space<vmem>>
    %dma_wait3A_178 = tpu.memref_squeeze %dma_wait3A_177 : memref<1x128xi32, #tpu.memory_space<vmem>> -> memref<128xi32, #tpu.memory_space<vmem>>
    %dma_wait3A_179 = arith.constant 0 : i32
    %dma_wait3A_180 = arith.constant 0 : i32
    %dma_wait3A_181 = tpu.memref_slice %arg6[%dma_wait3A_179, %dma_wait3A_180] : memref<100000x128xf32, #tpu.memory_space<hbm>> -> memref<100000x128xf32, #tpu.memory_space<hbm>>
    tpu.wait_indirect_dma semaphore(%arg14 : memref<!tpu.dma_semaphore, #tpu.memory_space<semaphore_mem>>) src(%dma_wait3A_181 : memref<100000x128xf32, #tpu.memory_space<hbm>>) dst(%dma_wait3A_175 : memref<128x128xf32, #tpu.memory_space<vmem>>)
    %mul3A_182 = arith.constant 4 : i32
    %mul3A_183 = arith.muli %add3A, %mul3A_182 : i32
    %add3A_184 = arith.constant 0 : i32
    %add3A_185 = arith.addi %mul3A_183, %add3A_184 : i32
    %mul3A_186 = arith.constant 128 : i32
    %mul3A_187 = arith.muli %add3A_185, %mul3A_186 : i32
    %run_scoped3A_188 = arith.constant 0 : i32
    "tpu.region"() ({
      %run_scoped3A_252 = tpu.sem_alloc : memref<!tpu.dma_semaphore, #tpu.memory_space<semaphore_mem>>
      %dma_start3A_253 = arith.constant 0 : i32
      %dma_start3A_254 = arith.constant 0 : i32
      %dma_start3A_255 = tpu.memref_slice %arg13[%run_scoped3A_188, %dma_start3A_253, %dma_start3A_254] : memref<4x128x128xf32, #tpu.memory_space<vmem>> -> memref<1x128x128xf32, #tpu.memory_space<vmem>>
      %dma_start3A_256 = tpu.memref_squeeze %dma_start3A_255 : memref<1x128x128xf32, #tpu.memory_space<vmem>> -> memref<128x128xf32, #tpu.memory_space<vmem>>
      %dma_start3A_257 = arith.constant 0 : i32
      %dma_start3A_258 = tpu.memref_slice %arg8[%mul3A_187, %dma_start3A_257] : memref<16384x128xf32, #tpu.memory_space<hbm>> -> memref<128x128xf32, #tpu.memory_space<hbm>>
      %dma_start3A_259 = arith.constant 0 : i32
      %dma_start3A_260 = tpu.memref_slice %arg8[%mul3A_187, %dma_start3A_259] : memref<16384x128xf32, #tpu.memory_space<hbm>> -> memref<128x128xf32, #tpu.memory_space<hbm>>
      %dma_start3A_261 = arith.constant 0 : i32
      %dma_start3A_262 = arith.constant 0 : i32
      %dma_start3A_263 = tpu.memref_slice %arg13[%run_scoped3A_188, %dma_start3A_261, %dma_start3A_262] : memref<4x128x128xf32, #tpu.memory_space<vmem>> -> memref<1x128x128xf32, #tpu.memory_space<vmem>>
      %dma_start3A_264 = tpu.memref_squeeze %dma_start3A_263 : memref<1x128x128xf32, #tpu.memory_space<vmem>> -> memref<128x128xf32, #tpu.memory_space<vmem>>
      tpu.enqueue_dma source(%dma_start3A_264 : memref<128x128xf32, #tpu.memory_space<vmem>>) target(%dma_start3A_260 : memref<128x128xf32, #tpu.memory_space<hbm>>) target_semaphore(%run_scoped3A_252 : memref<!tpu.dma_semaphore, #tpu.memory_space<semaphore_mem>>)
      %dma_wait3A_265 = arith.constant 0 : i32
      %dma_wait3A_266 = arith.constant 0 : i32
      %dma_wait3A_267 = tpu.memref_slice %arg13[%run_scoped3A_188, %dma_wait3A_265, %dma_wait3A_266] : memref<4x128x128xf32, #tpu.memory_space<vmem>> -> memref<1x128x128xf32, #tpu.memory_space<vmem>>
      %dma_wait3A_268 = tpu.memref_squeeze %dma_wait3A_267 : memref<1x128x128xf32, #tpu.memory_space<vmem>> -> memref<128x128xf32, #tpu.memory_space<vmem>>
      %dma_wait3A_269 = arith.constant 0 : i32
      %dma_wait3A_270 = tpu.memref_slice %arg8[%mul3A_187, %dma_wait3A_269] : memref<16384x128xf32, #tpu.memory_space<hbm>> -> memref<128x128xf32, #tpu.memory_space<hbm>>
      %dma_wait3A_271 = arith.constant 0 : i32
      %dma_wait3A_272 = tpu.memref_slice %arg8[%mul3A_187, %dma_wait3A_271] : memref<16384x128xf32, #tpu.memory_space<hbm>> -> memref<128x128xf32, #tpu.memory_space<hbm>>
      %dma_wait3A_273 = arith.constant 0 : i32
      %dma_wait3A_274 = arith.constant 0 : i32
      %dma_wait3A_275 = tpu.memref_slice %arg13[%run_scoped3A_188, %dma_wait3A_273, %dma_wait3A_274] : memref<4x128x128xf32, #tpu.memory_space<vmem>> -> memref<1x128x128xf32, #tpu.memory_space<vmem>>
      %dma_wait3A_276 = tpu.memref_squeeze %dma_wait3A_275 : memref<1x128x128xf32, #tpu.memory_space<vmem>> -> memref<128x128xf32, #tpu.memory_space<vmem>>
      tpu.wait_dma2 semaphore(%run_scoped3A_252 : memref<!tpu.dma_semaphore, #tpu.memory_space<semaphore_mem>>) src(%dma_wait3A_276 : memref<128x128xf32, #tpu.memory_space<vmem>>) dst(%dma_wait3A_272 : memref<128x128xf32, #tpu.memory_space<hbm>>)
      tpu.yield
    }) : () -> ()
    %dma_wait3A_189 = arith.constant 1 : i32
    %dma_wait3A_190 = arith.constant 1 : i32
    %dma_wait3A_191 = arith.constant 0 : i32
    %dma_wait3A_192 = arith.constant 0 : i32
    %dma_wait3A_193 = tpu.memref_slice %arg13[%dma_wait3A_190, %dma_wait3A_191, %dma_wait3A_192] : memref<4x128x128xf32, #tpu.memory_space<vmem>> -> memref<1x128x128xf32, #tpu.memory_space<vmem>>
    %dma_wait3A_194 = tpu.memref_squeeze %dma_wait3A_193 : memref<1x128x128xf32, #tpu.memory_space<vmem>> -> memref<128x128xf32, #tpu.memory_space<vmem>>
    %dma_wait3A_195 = arith.constant 0 : i32
    %dma_wait3A_196 = tpu.memref_slice %arg11[%dma_wait3A_189, %dma_wait3A_195] : memref<4x128xi32, #tpu.memory_space<vmem>> -> memref<1x128xi32, #tpu.memory_space<vmem>>
    %dma_wait3A_197 = tpu.memref_squeeze %dma_wait3A_196 : memref<1x128xi32, #tpu.memory_space<vmem>> -> memref<128xi32, #tpu.memory_space<vmem>>
    %dma_wait3A_198 = arith.constant 0 : i32
    %dma_wait3A_199 = arith.constant 0 : i32
    %dma_wait3A_200 = tpu.memref_slice %arg6[%dma_wait3A_198, %dma_wait3A_199] : memref<100000x128xf32, #tpu.memory_space<hbm>> -> memref<100000x128xf32, #tpu.memory_space<hbm>>
    tpu.wait_indirect_dma semaphore(%arg14 : memref<!tpu.dma_semaphore, #tpu.memory_space<semaphore_mem>>) src(%dma_wait3A_200 : memref<100000x128xf32, #tpu.memory_space<hbm>>) dst(%dma_wait3A_194 : memref<128x128xf32, #tpu.memory_space<vmem>>)
    %mul3A_201 = arith.constant 4 : i32
    %mul3A_202 = arith.muli %add3A, %mul3A_201 : i32
    %add3A_203 = arith.constant 1 : i32
    %add3A_204 = arith.addi %mul3A_202, %add3A_203 : i32
    %mul3A_205 = arith.constant 128 : i32
    %mul3A_206 = arith.muli %add3A_204, %mul3A_205 : i32
    %run_scoped3A_207 = arith.constant 1 : i32
    "tpu.region"() ({
      %run_scoped3A_252 = tpu.sem_alloc : memref<!tpu.dma_semaphore, #tpu.memory_space<semaphore_mem>>
      %dma_start3A_253 = arith.constant 0 : i32
      %dma_start3A_254 = arith.constant 0 : i32
      %dma_start3A_255 = tpu.memref_slice %arg13[%run_scoped3A_207, %dma_start3A_253, %dma_start3A_254] : memref<4x128x128xf32, #tpu.memory_space<vmem>> -> memref<1x128x128xf32, #tpu.memory_space<vmem>>
      %dma_start3A_256 = tpu.memref_squeeze %dma_start3A_255 : memref<1x128x128xf32, #tpu.memory_space<vmem>> -> memref<128x128xf32, #tpu.memory_space<vmem>>
      %dma_start3A_257 = arith.constant 0 : i32
      %dma_start3A_258 = tpu.memref_slice %arg8[%mul3A_206, %dma_start3A_257] : memref<16384x128xf32, #tpu.memory_space<hbm>> -> memref<128x128xf32, #tpu.memory_space<hbm>>
      %dma_start3A_259 = arith.constant 0 : i32
      %dma_start3A_260 = tpu.memref_slice %arg8[%mul3A_206, %dma_start3A_259] : memref<16384x128xf32, #tpu.memory_space<hbm>> -> memref<128x128xf32, #tpu.memory_space<hbm>>
      %dma_start3A_261 = arith.constant 0 : i32
      %dma_start3A_262 = arith.constant 0 : i32
      %dma_start3A_263 = tpu.memref_slice %arg13[%run_scoped3A_207, %dma_start3A_261, %dma_start3A_262] : memref<4x128x128xf32, #tpu.memory_space<vmem>> -> memref<1x128x128xf32, #tpu.memory_space<vmem>>
      %dma_start3A_264 = tpu.memref_squeeze %dma_start3A_263 : memref<1x128x128xf32, #tpu.memory_space<vmem>> -> memref<128x128xf32, #tpu.memory_space<vmem>>
      tpu.enqueue_dma source(%dma_start3A_264 : memref<128x128xf32, #tpu.memory_space<vmem>>) target(%dma_start3A_260 : memref<128x128xf32, #tpu.memory_space<hbm>>) target_semaphore(%run_scoped3A_252 : memref<!tpu.dma_semaphore, #tpu.memory_space<semaphore_mem>>)
      %dma_wait3A_265 = arith.constant 0 : i32
      %dma_wait3A_266 = arith.constant 0 : i32
      %dma_wait3A_267 = tpu.memref_slice %arg13[%run_scoped3A_207, %dma_wait3A_265, %dma_wait3A_266] : memref<4x128x128xf32, #tpu.memory_space<vmem>> -> memref<1x128x128xf32, #tpu.memory_space<vmem>>
      %dma_wait3A_268 = tpu.memref_squeeze %dma_wait3A_267 : memref<1x128x128xf32, #tpu.memory_space<vmem>> -> memref<128x128xf32, #tpu.memory_space<vmem>>
      %dma_wait3A_269 = arith.constant 0 : i32
      %dma_wait3A_270 = tpu.memref_slice %arg8[%mul3A_206, %dma_wait3A_269] : memref<16384x128xf32, #tpu.memory_space<hbm>> -> memref<128x128xf32, #tpu.memory_space<hbm>>
      %dma_wait3A_271 = arith.constant 0 : i32
      %dma_wait3A_272 = tpu.memref_slice %arg8[%mul3A_206, %dma_wait3A_271] : memref<16384x128xf32, #tpu.memory_space<hbm>> -> memref<128x128xf32, #tpu.memory_space<hbm>>
      %dma_wait3A_273 = arith.constant 0 : i32
      %dma_wait3A_274 = arith.constant 0 : i32
      %dma_wait3A_275 = tpu.memref_slice %arg13[%run_scoped3A_207, %dma_wait3A_273, %dma_wait3A_274] : memref<4x128x128xf32, #tpu.memory_space<vmem>> -> memref<1x128x128xf32, #tpu.memory_space<vmem>>
      %dma_wait3A_276 = tpu.memref_squeeze %dma_wait3A_275 : memref<1x128x128xf32, #tpu.memory_space<vmem>> -> memref<128x128xf32, #tpu.memory_space<vmem>>
      tpu.wait_dma2 semaphore(%run_scoped3A_252 : memref<!tpu.dma_semaphore, #tpu.memory_space<semaphore_mem>>) src(%dma_wait3A_276 : memref<128x128xf32, #tpu.memory_space<vmem>>) dst(%dma_wait3A_272 : memref<128x128xf32, #tpu.memory_space<hbm>>)
      tpu.yield
    }) : () -> ()
    %dma_wait3A_208 = arith.constant 2 : i32
    %dma_wait3A_209 = arith.constant 2 : i32
    %dma_wait3A_210 = arith.constant 0 : i32
    %dma_wait3A_211 = arith.constant 0 : i32
    %dma_wait3A_212 = tpu.memref_slice %arg13[%dma_wait3A_209, %dma_wait3A_210, %dma_wait3A_211] : memref<4x128x128xf32, #tpu.memory_space<vmem>> -> memref<1x128x128xf32, #tpu.memory_space<vmem>>
    %dma_wait3A_213 = tpu.memref_squeeze %dma_wait3A_212 : memref<1x128x128xf32, #tpu.memory_space<vmem>> -> memref<128x128xf32, #tpu.memory_space<vmem>>
    %dma_wait3A_214 = arith.constant 0 : i32
    %dma_wait3A_215 = tpu.memref_slice %arg11[%dma_wait3A_208, %dma_wait3A_214] : memref<4x128xi32, #tpu.memory_space<vmem>> -> memref<1x128xi32, #tpu.memory_space<vmem>>
    %dma_wait3A_216 = tpu.memref_squeeze %dma_wait3A_215 : memref<1x128xi32, #tpu.memory_space<vmem>> -> memref<128xi32, #tpu.memory_space<vmem>>
    %dma_wait3A_217 = arith.constant 0 : i32
    %dma_wait3A_218 = arith.constant 0 : i32
    %dma_wait3A_219 = tpu.memref_slice %arg6[%dma_wait3A_217, %dma_wait3A_218] : memref<100000x128xf32, #tpu.memory_space<hbm>> -> memref<100000x128xf32, #tpu.memory_space<hbm>>
    tpu.wait_indirect_dma semaphore(%arg14 : memref<!tpu.dma_semaphore, #tpu.memory_space<semaphore_mem>>) src(%dma_wait3A_219 : memref<100000x128xf32, #tpu.memory_space<hbm>>) dst(%dma_wait3A_213 : memref<128x128xf32, #tpu.memory_space<vmem>>)
    %mul3A_220 = arith.constant 4 : i32
    %mul3A_221 = arith.muli %add3A, %mul3A_220 : i32
    %add3A_222 = arith.constant 2 : i32
    %add3A_223 = arith.addi %mul3A_221, %add3A_222 : i32
    %mul3A_224 = arith.constant 128 : i32
    %mul3A_225 = arith.muli %add3A_223, %mul3A_224 : i32
    %run_scoped3A_226 = arith.constant 2 : i32
    "tpu.region"() ({
      %run_scoped3A_252 = tpu.sem_alloc : memref<!tpu.dma_semaphore, #tpu.memory_space<semaphore_mem>>
      %dma_start3A_253 = arith.constant 0 : i32
      %dma_start3A_254 = arith.constant 0 : i32
      %dma_start3A_255 = tpu.memref_slice %arg13[%run_scoped3A_226, %dma_start3A_253, %dma_start3A_254] : memref<4x128x128xf32, #tpu.memory_space<vmem>> -> memref<1x128x128xf32, #tpu.memory_space<vmem>>
      %dma_start3A_256 = tpu.memref_squeeze %dma_start3A_255 : memref<1x128x128xf32, #tpu.memory_space<vmem>> -> memref<128x128xf32, #tpu.memory_space<vmem>>
      %dma_start3A_257 = arith.constant 0 : i32
      %dma_start3A_258 = tpu.memref_slice %arg8[%mul3A_225, %dma_start3A_257] : memref<16384x128xf32, #tpu.memory_space<hbm>> -> memref<128x128xf32, #tpu.memory_space<hbm>>
      %dma_start3A_259 = arith.constant 0 : i32
      %dma_start3A_260 = tpu.memref_slice %arg8[%mul3A_225, %dma_start3A_259] : memref<16384x128xf32, #tpu.memory_space<hbm>> -> memref<128x128xf32, #tpu.memory_space<hbm>>
      %dma_start3A_261 = arith.constant 0 : i32
      %dma_start3A_262 = arith.constant 0 : i32
      %dma_start3A_263 = tpu.memref_slice %arg13[%run_scoped3A_226, %dma_start3A_261, %dma_start3A_262] : memref<4x128x128xf32, #tpu.memory_space<vmem>> -> memref<1x128x128xf32, #tpu.memory_space<vmem>>
      %dma_start3A_264 = tpu.memref_squeeze %dma_start3A_263 : memref<1x128x128xf32, #tpu.memory_space<vmem>> -> memref<128x128xf32, #tpu.memory_space<vmem>>
      tpu.enqueue_dma source(%dma_start3A_264 : memref<128x128xf32, #tpu.memory_space<vmem>>) target(%dma_start3A_260 : memref<128x128xf32, #tpu.memory_space<hbm>>) target_semaphore(%run_scoped3A_252 : memref<!tpu.dma_semaphore, #tpu.memory_space<semaphore_mem>>)
      %dma_wait3A_265 = arith.constant 0 : i32
      %dma_wait3A_266 = arith.constant 0 : i32
      %dma_wait3A_267 = tpu.memref_slice %arg13[%run_scoped3A_226, %dma_wait3A_265, %dma_wait3A_266] : memref<4x128x128xf32, #tpu.memory_space<vmem>> -> memref<1x128x128xf32, #tpu.memory_space<vmem>>
      %dma_wait3A_268 = tpu.memref_squeeze %dma_wait3A_267 : memref<1x128x128xf32, #tpu.memory_space<vmem>> -> memref<128x128xf32, #tpu.memory_space<vmem>>
      %dma_wait3A_269 = arith.constant 0 : i32
      %dma_wait3A_270 = tpu.memref_slice %arg8[%mul3A_225, %dma_wait3A_269] : memref<16384x128xf32, #tpu.memory_space<hbm>> -> memref<128x128xf32, #tpu.memory_space<hbm>>
      %dma_wait3A_271 = arith.constant 0 : i32
      %dma_wait3A_272 = tpu.memref_slice %arg8[%mul3A_225, %dma_wait3A_271] : memref<16384x128xf32, #tpu.memory_space<hbm>> -> memref<128x128xf32, #tpu.memory_space<hbm>>
      %dma_wait3A_273 = arith.constant 0 : i32
      %dma_wait3A_274 = arith.constant 0 : i32
      %dma_wait3A_275 = tpu.memref_slice %arg13[%run_scoped3A_226, %dma_wait3A_273, %dma_wait3A_274] : memref<4x128x128xf32, #tpu.memory_space<vmem>> -> memref<1x128x128xf32, #tpu.memory_space<vmem>>
      %dma_wait3A_276 = tpu.memref_squeeze %dma_wait3A_275 : memref<1x128x128xf32, #tpu.memory_space<vmem>> -> memref<128x128xf32, #tpu.memory_space<vmem>>
      tpu.wait_dma2 semaphore(%run_scoped3A_252 : memref<!tpu.dma_semaphore, #tpu.memory_space<semaphore_mem>>) src(%dma_wait3A_276 : memref<128x128xf32, #tpu.memory_space<vmem>>) dst(%dma_wait3A_272 : memref<128x128xf32, #tpu.memory_space<hbm>>)
      tpu.yield
    }) : () -> ()
    %dma_wait3A_227 = arith.constant 3 : i32
    %dma_wait3A_228 = arith.constant 3 : i32
    %dma_wait3A_229 = arith.constant 0 : i32
    %dma_wait3A_230 = arith.constant 0 : i32
    %dma_wait3A_231 = tpu.memref_slice %arg13[%dma_wait3A_228, %dma_wait3A_229, %dma_wait3A_230] : memref<4x128x128xf32, #tpu.memory_space<vmem>> -> memref<1x128x128xf32, #tpu.memory_space<vmem>>
    %dma_wait3A_232 = tpu.memref_squeeze %dma_wait3A_231 : memref<1x128x128xf32, #tpu.memory_space<vmem>> -> memref<128x128xf32, #tpu.memory_space<vmem>>
    %dma_wait3A_233 = arith.constant 0 : i32
    %dma_wait3A_234 = tpu.memref_slice %arg11[%dma_wait3A_227, %dma_wait3A_233] : memref<4x128xi32, #tpu.memory_space<vmem>> -> memref<1x128xi32, #tpu.memory_space<vmem>>
    %dma_wait3A_235 = tpu.memref_squeeze %dma_wait3A_234 : memref<1x128xi32, #tpu.memory_space<vmem>> -> memref<128xi32, #tpu.memory_space<vmem>>
    %dma_wait3A_236 = arith.constant 0 : i32
    %dma_wait3A_237 = arith.constant 0 : i32
    %dma_wait3A_238 = tpu.memref_slice %arg6[%dma_wait3A_236, %dma_wait3A_237] : memref<100000x128xf32, #tpu.memory_space<hbm>> -> memref<100000x128xf32, #tpu.memory_space<hbm>>
    tpu.wait_indirect_dma semaphore(%arg14 : memref<!tpu.dma_semaphore, #tpu.memory_space<semaphore_mem>>) src(%dma_wait3A_238 : memref<100000x128xf32, #tpu.memory_space<hbm>>) dst(%dma_wait3A_232 : memref<128x128xf32, #tpu.memory_space<vmem>>)
    %mul3A_239 = arith.constant 4 : i32
    %mul3A_240 = arith.muli %add3A, %mul3A_239 : i32
    %add3A_241 = arith.constant 3 : i32
    %add3A_242 = arith.addi %mul3A_240, %add3A_241 : i32
    %mul3A_243 = arith.constant 128 : i32
    %mul3A_244 = arith.muli %add3A_242, %mul3A_243 : i32
    %run_scoped3A_245 = arith.constant 3 : i32
    "tpu.region"() ({
      %run_scoped3A_252 = tpu.sem_alloc : memref<!tpu.dma_semaphore, #tpu.memory_space<semaphore_mem>>
      %dma_start3A_253 = arith.constant 0 : i32
      %dma_start3A_254 = arith.constant 0 : i32
      %dma_start3A_255 = tpu.memref_slice %arg13[%run_scoped3A_245, %dma_start3A_253, %dma_start3A_254] : memref<4x128x128xf32, #tpu.memory_space<vmem>> -> memref<1x128x128xf32, #tpu.memory_space<vmem>>
      %dma_start3A_256 = tpu.memref_squeeze %dma_start3A_255 : memref<1x128x128xf32, #tpu.memory_space<vmem>> -> memref<128x128xf32, #tpu.memory_space<vmem>>
      %dma_start3A_257 = arith.constant 0 : i32
      %dma_start3A_258 = tpu.memref_slice %arg8[%mul3A_244, %dma_start3A_257] : memref<16384x128xf32, #tpu.memory_space<hbm>> -> memref<128x128xf32, #tpu.memory_space<hbm>>
      %dma_start3A_259 = arith.constant 0 : i32
      %dma_start3A_260 = tpu.memref_slice %arg8[%mul3A_244, %dma_start3A_259] : memref<16384x128xf32, #tpu.memory_space<hbm>> -> memref<128x128xf32, #tpu.memory_space<hbm>>
      %dma_start3A_261 = arith.constant 0 : i32
      %dma_start3A_262 = arith.constant 0 : i32
      %dma_start3A_263 = tpu.memref_slice %arg13[%run_scoped3A_245, %dma_start3A_261, %dma_start3A_262] : memref<4x128x128xf32, #tpu.memory_space<vmem>> -> memref<1x128x128xf32, #tpu.memory_space<vmem>>
      %dma_start3A_264 = tpu.memref_squeeze %dma_start3A_263 : memref<1x128x128xf32, #tpu.memory_space<vmem>> -> memref<128x128xf32, #tpu.memory_space<vmem>>
      tpu.enqueue_dma source(%dma_start3A_264 : memref<128x128xf32, #tpu.memory_space<vmem>>) target(%dma_start3A_260 : memref<128x128xf32, #tpu.memory_space<hbm>>) target_semaphore(%run_scoped3A_252 : memref<!tpu.dma_semaphore, #tpu.memory_space<semaphore_mem>>)
      %dma_wait3A_265 = arith.constant 0 : i32
      %dma_wait3A_266 = arith.constant 0 : i32
      %dma_wait3A_267 = tpu.memref_slice %arg13[%run_scoped3A_245, %dma_wait3A_265, %dma_wait3A_266] : memref<4x128x128xf32, #tpu.memory_space<vmem>> -> memref<1x128x128xf32, #tpu.memory_space<vmem>>
      %dma_wait3A_268 = tpu.memref_squeeze %dma_wait3A_267 : memref<1x128x128xf32, #tpu.memory_space<vmem>> -> memref<128x128xf32, #tpu.memory_space<vmem>>
      %dma_wait3A_269 = arith.constant 0 : i32
      %dma_wait3A_270 = tpu.memref_slice %arg8[%mul3A_244, %dma_wait3A_269] : memref<16384x128xf32, #tpu.memory_space<hbm>> -> memref<128x128xf32, #tpu.memory_space<hbm>>
      %dma_wait3A_271 = arith.constant 0 : i32
      %dma_wait3A_272 = tpu.memref_slice %arg8[%mul3A_244, %dma_wait3A_271] : memref<16384x128xf32, #tpu.memory_space<hbm>> -> memref<128x128xf32, #tpu.memory_space<hbm>>
      %dma_wait3A_273 = arith.constant 0 : i32
      %dma_wait3A_274 = arith.constant 0 : i32
      %dma_wait3A_275 = tpu.memref_slice %arg13[%run_scoped3A_245, %dma_wait3A_273, %dma_wait3A_274] : memref<4x128x128xf32, #tpu.memory_space<vmem>> -> memref<1x128x128xf32, #tpu.memory_space<vmem>>
      %dma_wait3A_276 = tpu.memref_squeeze %dma_wait3A_275 : memref<1x128x128xf32, #tpu.memory_space<vmem>> -> memref<128x128xf32, #tpu.memory_space<vmem>>
      tpu.wait_dma2 semaphore(%run_scoped3A_252 : memref<!tpu.dma_semaphore, #tpu.memory_space<semaphore_mem>>) src(%dma_wait3A_276 : memref<128x128xf32, #tpu.memory_space<vmem>>) dst(%dma_wait3A_272 : memref<128x128xf32, #tpu.memory_space<hbm>>)
      tpu.yield
    }) : () -> ()
    %mul3A_246 = arith.constant 32768 : i32
    %mul3A_247 = arith.muli %add3A, %mul3A_246 : i32
    %scan3A = arith.constant 0 : i32
    %scan3A_248 = arith.constant 64 : i32
    %scan3A_249 = arith.addi %scan3A, %scan3A_248 : i32
    %scan3A_250 = arith.constant 2 : i32
    scf.for %scan3A_252 = %scan3A to %scan3A_249 step %scan3A_250  : i32 {
      %mul3A_253 = arith.constant 4 : i32
      %mul3A_254 = arith.muli %scan3A_252, %mul3A_253 : i32
      %add3A_255 = arith.constant 0 : i32
      %add3A_256 = arith.addi %add3A_255, %mul3A_254 : i32
      %add3A_257 = arith.constant 0 : i32
      %add3A_258 = arith.addi %add3A_256, %add3A_257 : i32
      %dma_start3A_259 = arith.constant 0 : i32
      %dma_start3A_260 = arith.constant 0 : i32
      %dma_start3A_261 = arith.constant 0 : i32
      %dma_start3A_262 = tpu.memref_slice %arg13[%dma_start3A_259, %dma_start3A_260, %dma_start3A_261] : memref<4x128x128xf32, #tpu.memory_space<vmem>> -> memref<1x128x128xf32, #tpu.memory_space<vmem>>
      %dma_start3A_263 = tpu.memref_squeeze %dma_start3A_262 : memref<1x128x128xf32, #tpu.memory_space<vmem>> -> memref<128x128xf32, #tpu.memory_space<vmem>>
      %dma_start3A_264 = arith.constant 0 : i32
      %dma_start3A_265 = tpu.memref_slice %arg12[%add3A_258, %dma_start3A_264] : memref<256x128xi32, #tpu.memory_space<vmem>> -> memref<1x128xi32, #tpu.memory_space<vmem>>
      %dma_start3A_266 = tpu.memref_squeeze %dma_start3A_265 : memref<1x128xi32, #tpu.memory_space<vmem>> -> memref<128xi32, #tpu.memory_space<vmem>>
      %dma_start3A_267 = arith.constant 0 : i32
      %dma_start3A_268 = arith.constant 0 : i32
      %dma_start3A_269 = tpu.memref_slice %arg6[%dma_start3A_267, %dma_start3A_268] : memref<100000x128xf32, #tpu.memory_space<hbm>> -> memref<100000x128xf32, #tpu.memory_space<hbm>>
      tpu.enqueue_indirect_dma source(%dma_start3A_269 : memref<100000x128xf32, #tpu.memory_space<hbm>>) target(%dma_start3A_263 : memref<128x128xf32, #tpu.memory_space<vmem>>) offsets(%dma_start3A_266 : memref<128xi32, #tpu.memory_space<vmem>>) semaphore(%arg14 : memref<!tpu.dma_semaphore, #tpu.memory_space<semaphore_mem>>)
      %add3A_270 = arith.constant 1 : i32
      %add3A_271 = arith.addi %add3A_256, %add3A_270 : i32
      %dma_start3A_272 = arith.constant 1 : i32
      %dma_start3A_273 = arith.constant 0 : i32
      %dma_start3A_274 = arith.constant 0 : i32
      %dma_start3A_275 = tpu.memref_slice %arg13[%dma_start3A_272, %dma_start3A_273, %dma_start3A_274] : memref<4x128x128xf32, #tpu.memory_space<vmem>> -> memref<1x128x128xf32, #tpu.memory_space<vmem>>
      %dma_start3A_276 = tpu.memref_squeeze %dma_start3A_275 : memref<1x128x128xf32, #tpu.memory_space<vmem>> -> memref<128x128xf32, #tpu.memory_space<vmem>>
      %dma_start3A_277 = arith.constant 0 : i32
      %dma_start3A_278 = tpu.memref_slice %arg12[%add3A_271, %dma_start3A_277] : memref<256x128xi32, #tpu.memory_space<vmem>> -> memref<1x128xi32, #tpu.memory_space<vmem>>
      %dma_start3A_279 = tpu.memref_squeeze %dma_start3A_278 : memref<1x128xi32, #tpu.memory_space<vmem>> -> memref<128xi32, #tpu.memory_space<vmem>>
      %dma_start3A_280 = arith.constant 0 : i32
      %dma_start3A_281 = arith.constant 0 : i32
      %dma_start3A_282 = tpu.memref_slice %arg6[%dma_start3A_280, %dma_start3A_281] : memref<100000x128xf32, #tpu.memory_space<hbm>> -> memref<100000x128xf32, #tpu.memory_space<hbm>>
      tpu.enqueue_indirect_dma source(%dma_start3A_282 : memref<100000x128xf32, #tpu.memory_space<hbm>>) target(%dma_start3A_276 : memref<128x128xf32, #tpu.memory_space<vmem>>) offsets(%dma_start3A_279 : memref<128xi32, #tpu.memory_space<vmem>>) semaphore(%arg14 : memref<!tpu.dma_semaphore, #tpu.memory_space<semaphore_mem>>)
      %add3A_283 = arith.constant 2 : i32
      %add3A_284 = arith.addi %add3A_256, %add3A_283 : i32
      %dma_start3A_285 = arith.constant 2 : i32
      %dma_start3A_286 = arith.constant 0 : i32
      %dma_start3A_287 = arith.constant 0 : i32
      %dma_start3A_288 = tpu.memref_slice %arg13[%dma_start3A_285, %dma_start3A_286, %dma_start3A_287] : memref<4x128x128xf32, #tpu.memory_space<vmem>> -> memref<1x128x128xf32, #tpu.memory_space<vmem>>
      %dma_start3A_289 = tpu.memref_squeeze %dma_start3A_288 : memref<1x128x128xf32, #tpu.memory_space<vmem>> -> memref<128x128xf32, #tpu.memory_space<vmem>>
      %dma_start3A_290 = arith.constant 0 : i32
      %dma_start3A_291 = tpu.memref_slice %arg12[%add3A_284, %dma_start3A_290] : memref<256x128xi32, #tpu.memory_space<vmem>> -> memref<1x128xi32, #tpu.memory_space<vmem>>
      %dma_start3A_292 = tpu.memref_squeeze %dma_start3A_291 : memref<1x128xi32, #tpu.memory_space<vmem>> -> memref<128xi32, #tpu.memory_space<vmem>>
      %dma_start3A_293 = arith.constant 0 : i32
      %dma_start3A_294 = arith.constant 0 : i32
      %dma_start3A_295 = tpu.memref_slice %arg6[%dma_start3A_293, %dma_start3A_294] : memref<100000x128xf32, #tpu.memory_space<hbm>> -> memref<100000x128xf32, #tpu.memory_space<hbm>>
      tpu.enqueue_indirect_dma source(%dma_start3A_295 : memref<100000x128xf32, #tpu.memory_space<hbm>>) target(%dma_start3A_289 : memref<128x128xf32, #tpu.memory_space<vmem>>) offsets(%dma_start3A_292 : memref<128xi32, #tpu.memory_space<vmem>>) semaphore(%arg14 : memref<!tpu.dma_semaphore, #tpu.memory_space<semaphore_mem>>)
      %add3A_296 = arith.constant 3 : i32
      %add3A_297 = arith.addi %add3A_256, %add3A_296 : i32
      %dma_start3A_298 = arith.constant 3 : i32
      %dma_start3A_299 = arith.constant 0 : i32
      %dma_start3A_300 = arith.constant 0 : i32
      %dma_start3A_301 = tpu.memref_slice %arg13[%dma_start3A_298, %dma_start3A_299, %dma_start3A_300] : memref<4x128x128xf32, #tpu.memory_space<vmem>> -> memref<1x128x128xf32, #tpu.memory_space<vmem>>
      %dma_start3A_302 = tpu.memref_squeeze %dma_start3A_301 : memref<1x128x128xf32, #tpu.memory_space<vmem>> -> memref<128x128xf32, #tpu.memory_space<vmem>>
      %dma_start3A_303 = arith.constant 0 : i32
      %dma_start3A_304 = tpu.memref_slice %arg12[%add3A_297, %dma_start3A_303] : memref<256x128xi32, #tpu.memory_space<vmem>> -> memref<1x128xi32, #tpu.memory_space<vmem>>
      %dma_start3A_305 = tpu.memref_squeeze %dma_start3A_304 : memref<1x128xi32, #tpu.memory_space<vmem>> -> memref<128xi32, #tpu.memory_space<vmem>>
      %dma_start3A_306 = arith.constant 0 : i32
      %dma_start3A_307 = arith.constant 0 : i32
      %dma_start3A_308 = tpu.memref_slice %arg6[%dma_start3A_306, %dma_start3A_307] : memref<100000x128xf32, #tpu.memory_space<hbm>> -> memref<100000x128xf32, #tpu.memory_space<hbm>>
      tpu.enqueue_indirect_dma source(%dma_start3A_308 : memref<100000x128xf32, #tpu.memory_space<hbm>>) target(%dma_start3A_302 : memref<128x128xf32, #tpu.memory_space<vmem>>) offsets(%dma_start3A_305 : memref<128xi32, #tpu.memory_space<vmem>>) semaphore(%arg14 : memref<!tpu.dma_semaphore, #tpu.memory_space<semaphore_mem>>)
      %dma_wait3A_309 = arith.constant 0 : i32
      %dma_wait3A_310 = arith.constant 0 : i32
      %dma_wait3A_311 = arith.constant 0 : i32
      %dma_wait3A_312 = tpu.memref_slice %arg13[%dma_wait3A_309, %dma_wait3A_310, %dma_wait3A_311] : memref<4x128x128xf32, #tpu.memory_space<vmem>> -> memref<1x128x128xf32, #tpu.memory_space<vmem>>
      %dma_wait3A_313 = tpu.memref_squeeze %dma_wait3A_312 : memref<1x128x128xf32, #tpu.memory_space<vmem>> -> memref<128x128xf32, #tpu.memory_space<vmem>>
      %dma_wait3A_314 = arith.constant 0 : i32
      %dma_wait3A_315 = tpu.memref_slice %arg12[%add3A_258, %dma_wait3A_314] : memref<256x128xi32, #tpu.memory_space<vmem>> -> memref<1x128xi32, #tpu.memory_space<vmem>>
      %dma_wait3A_316 = tpu.memref_squeeze %dma_wait3A_315 : memref<1x128xi32, #tpu.memory_space<vmem>> -> memref<128xi32, #tpu.memory_space<vmem>>
      %dma_wait3A_317 = arith.constant 0 : i32
      %dma_wait3A_318 = arith.constant 0 : i32
      %dma_wait3A_319 = tpu.memref_slice %arg6[%dma_wait3A_317, %dma_wait3A_318] : memref<100000x128xf32, #tpu.memory_space<hbm>> -> memref<100000x128xf32, #tpu.memory_space<hbm>>
      tpu.wait_indirect_dma semaphore(%arg14 : memref<!tpu.dma_semaphore, #tpu.memory_space<semaphore_mem>>) src(%dma_wait3A_319 : memref<100000x128xf32, #tpu.memory_space<hbm>>) dst(%dma_wait3A_313 : memref<128x128xf32, #tpu.memory_space<vmem>>)
      %add3A_320 = arith.constant 0 : i32
      %add3A_321 = arith.addi %add3A_256, %add3A_320 : i32
      %mul3A_322 = arith.constant 128 : i32
      %mul3A_323 = arith.muli %add3A_321, %mul3A_322 : i32
      %add3A_324 = arith.addi %mul3A_247, %mul3A_323 : i32
      %run_scoped3A_325 = arith.constant 0 : i32
      "tpu.region"() ({
        %run_scoped3A_503 = tpu.sem_alloc : memref<!tpu.dma_semaphore, #tpu.memory_space<semaphore_mem>>
        %dma_start3A_504 = arith.constant 0 : i32
        %dma_start3A_505 = arith.constant 0 : i32
        %dma_start3A_506 = tpu.memref_slice %arg13[%run_scoped3A_325, %dma_start3A_504, %dma_start3A_505] : memref<4x128x128xf32, #tpu.memory_space<vmem>> -> memref<1x128x128xf32, #tpu.memory_space<vmem>>
        %dma_start3A_507 = tpu.memref_squeeze %dma_start3A_506 : memref<1x128x128xf32, #tpu.memory_space<vmem>> -> memref<128x128xf32, #tpu.memory_space<vmem>>
        %dma_start3A_508 = arith.constant 0 : i32
        %dma_start3A_509 = tpu.memref_slice %arg9[%add3A_324, %dma_start3A_508] : memref<1048576x128xf32, #tpu.memory_space<hbm>> -> memref<128x128xf32, #tpu.memory_space<hbm>>
        %dma_start3A_510 = arith.constant 0 : i32
        %dma_start3A_511 = tpu.memref_slice %arg9[%add3A_324, %dma_start3A_510] : memref<1048576x128xf32, #tpu.memory_space<hbm>> -> memref<128x128xf32, #tpu.memory_space<hbm>>
        %dma_start3A_512 = arith.constant 0 : i32
        %dma_start3A_513 = arith.constant 0 : i32
        %dma_start3A_514 = tpu.memref_slice %arg13[%run_scoped3A_325, %dma_start3A_512, %dma_start3A_513] : memref<4x128x128xf32, #tpu.memory_space<vmem>> -> memref<1x128x128xf32, #tpu.memory_space<vmem>>
        %dma_start3A_515 = tpu.memref_squeeze %dma_start3A_514 : memref<1x128x128xf32, #tpu.memory_space<vmem>> -> memref<128x128xf32, #tpu.memory_space<vmem>>
        tpu.enqueue_dma source(%dma_start3A_515 : memref<128x128xf32, #tpu.memory_space<vmem>>) target(%dma_start3A_511 : memref<128x128xf32, #tpu.memory_space<hbm>>) target_semaphore(%run_scoped3A_503 : memref<!tpu.dma_semaphore, #tpu.memory_space<semaphore_mem>>)
        %dma_wait3A_516 = arith.constant 0 : i32
        %dma_wait3A_517 = arith.constant 0 : i32
        %dma_wait3A_518 = tpu.memref_slice %arg13[%run_scoped3A_325, %dma_wait3A_516, %dma_wait3A_517] : memref<4x128x128xf32, #tpu.memory_space<vmem>> -> memref<1x128x128xf32, #tpu.memory_space<vmem>>
        %dma_wait3A_519 = tpu.memref_squeeze %dma_wait3A_518 : memref<1x128x128xf32, #tpu.memory_space<vmem>> -> memref<128x128xf32, #tpu.memory_space<vmem>>
        %dma_wait3A_520 = arith.constant 0 : i32
        %dma_wait3A_521 = tpu.memref_slice %arg9[%add3A_324, %dma_wait3A_520] : memref<1048576x128xf32, #tpu.memory_space<hbm>> -> memref<128x128xf32, #tpu.memory_space<hbm>>
        %dma_wait3A_522 = arith.constant 0 : i32
        %dma_wait3A_523 = tpu.memref_slice %arg9[%add3A_324, %dma_wait3A_522] : memref<1048576x128xf32, #tpu.memory_space<hbm>> -> memref<128x128xf32, #tpu.memory_space<hbm>>
        %dma_wait3A_524 = arith.constant 0 : i32
        %dma_wait3A_525 = arith.constant 0 : i32
        %dma_wait3A_526 = tpu.memref_slice %arg13[%run_scoped3A_325, %dma_wait3A_524, %dma_wait3A_525] : memref<4x128x128xf32, #tpu.memory_space<vmem>> -> memref<1x128x128xf32, #tpu.memory_space<vmem>>
        %dma_wait3A_527 = tpu.memref_squeeze %dma_wait3A_526 : memref<1x128x128xf32, #tpu.memory_space<vmem>> -> memref<128x128xf32, #tpu.memory_space<vmem>>
        tpu.wait_dma2 semaphore(%run_scoped3A_503 : memref<!tpu.dma_semaphore, #tpu.memory_space<semaphore_mem>>) src(%dma_wait3A_527 : memref<128x128xf32, #tpu.memory_space<vmem>>) dst(%dma_wait3A_523 : memref<128x128xf32, #tpu.memory_space<hbm>>)
        tpu.yield
      }) : () -> ()
      %dma_wait3A_326 = arith.constant 1 : i32
      %dma_wait3A_327 = arith.constant 0 : i32
      %dma_wait3A_328 = arith.constant 0 : i32
      %dma_wait3A_329 = tpu.memref_slice %arg13[%dma_wait3A_326, %dma_wait3A_327, %dma_wait3A_328] : memref<4x128x128xf32, #tpu.memory_space<vmem>> -> memref<1x128x128xf32, #tpu.memory_space<vmem>>
      %dma_wait3A_330 = tpu.memref_squeeze %dma_wait3A_329 : memref<1x128x128xf32, #tpu.memory_space<vmem>> -> memref<128x128xf32, #tpu.memory_space<vmem>>
      %dma_wait3A_331 = arith.constant 0 : i32
      %dma_wait3A_332 = tpu.memref_slice %arg12[%add3A_271, %dma_wait3A_331] : memref<256x128xi32, #tpu.memory_space<vmem>> -> memref<1x128xi32, #tpu.memory_space<vmem>>
      %dma_wait3A_333 = tpu.memref_squeeze %dma_wait3A_332 : memref<1x128xi32, #tpu.memory_space<vmem>> -> memref<128xi32, #tpu.memory_space<vmem>>
      %dma_wait3A_334 = arith.constant 0 : i32
      %dma_wait3A_335 = arith.constant 0 : i32
      %dma_wait3A_336 = tpu.memref_slice %arg6[%dma_wait3A_334, %dma_wait3A_335] : memref<100000x128xf32, #tpu.memory_space<hbm>> -> memref<100000x128xf32, #tpu.memory_space<hbm>>
      tpu.wait_indirect_dma semaphore(%arg14 : memref<!tpu.dma_semaphore, #tpu.memory_space<semaphore_mem>>) src(%dma_wait3A_336 : memref<100000x128xf32, #tpu.memory_space<hbm>>) dst(%dma_wait3A_330 : memref<128x128xf32, #tpu.memory_space<vmem>>)
      %add3A_337 = arith.constant 1 : i32
      %add3A_338 = arith.addi %add3A_256, %add3A_337 : i32
      %mul3A_339 = arith.constant 128 : i32
      %mul3A_340 = arith.muli %add3A_338, %mul3A_339 : i32
      %add3A_341 = arith.addi %mul3A_247, %mul3A_340 : i32
      %run_scoped3A_342 = arith.constant 1 : i32
      "tpu.region"() ({
        %run_scoped3A_503 = tpu.sem_alloc : memref<!tpu.dma_semaphore, #tpu.memory_space<semaphore_mem>>
        %dma_start3A_504 = arith.constant 0 : i32
        %dma_start3A_505 = arith.constant 0 : i32
        %dma_start3A_506 = tpu.memref_slice %arg13[%run_scoped3A_342, %dma_start3A_504, %dma_start3A_505] : memref<4x128x128xf32, #tpu.memory_space<vmem>> -> memref<1x128x128xf32, #tpu.memory_space<vmem>>
        %dma_start3A_507 = tpu.memref_squeeze %dma_start3A_506 : memref<1x128x128xf32, #tpu.memory_space<vmem>> -> memref<128x128xf32, #tpu.memory_space<vmem>>
        %dma_start3A_508 = arith.constant 0 : i32
        %dma_start3A_509 = tpu.memref_slice %arg9[%add3A_341, %dma_start3A_508] : memref<1048576x128xf32, #tpu.memory_space<hbm>> -> memref<128x128xf32, #tpu.memory_space<hbm>>
        %dma_start3A_510 = arith.constant 0 : i32
        %dma_start3A_511 = tpu.memref_slice %arg9[%add3A_341, %dma_start3A_510] : memref<1048576x128xf32, #tpu.memory_space<hbm>> -> memref<128x128xf32, #tpu.memory_space<hbm>>
        %dma_start3A_512 = arith.constant 0 : i32
        %dma_start3A_513 = arith.constant 0 : i32
        %dma_start3A_514 = tpu.memref_slice %arg13[%run_scoped3A_342, %dma_start3A_512, %dma_start3A_513] : memref<4x128x128xf32, #tpu.memory_space<vmem>> -> memref<1x128x128xf32, #tpu.memory_space<vmem>>
        %dma_start3A_515 = tpu.memref_squeeze %dma_start3A_514 : memref<1x128x128xf32, #tpu.memory_space<vmem>> -> memref<128x128xf32, #tpu.memory_space<vmem>>
        tpu.enqueue_dma source(%dma_start3A_515 : memref<128x128xf32, #tpu.memory_space<vmem>>) target(%dma_start3A_511 : memref<128x128xf32, #tpu.memory_space<hbm>>) target_semaphore(%run_scoped3A_503 : memref<!tpu.dma_semaphore, #tpu.memory_space<semaphore_mem>>)
        %dma_wait3A_516 = arith.constant 0 : i32
        %dma_wait3A_517 = arith.constant 0 : i32
        %dma_wait3A_518 = tpu.memref_slice %arg13[%run_scoped3A_342, %dma_wait3A_516, %dma_wait3A_517] : memref<4x128x128xf32, #tpu.memory_space<vmem>> -> memref<1x128x128xf32, #tpu.memory_space<vmem>>
        %dma_wait3A_519 = tpu.memref_squeeze %dma_wait3A_518 : memref<1x128x128xf32, #tpu.memory_space<vmem>> -> memref<128x128xf32, #tpu.memory_space<vmem>>
        %dma_wait3A_520 = arith.constant 0 : i32
        %dma_wait3A_521 = tpu.memref_slice %arg9[%add3A_341, %dma_wait3A_520] : memref<1048576x128xf32, #tpu.memory_space<hbm>> -> memref<128x128xf32, #tpu.memory_space<hbm>>
        %dma_wait3A_522 = arith.constant 0 : i32
        %dma_wait3A_523 = tpu.memref_slice %arg9[%add3A_341, %dma_wait3A_522] : memref<1048576x128xf32, #tpu.memory_space<hbm>> -> memref<128x128xf32, #tpu.memory_space<hbm>>
        %dma_wait3A_524 = arith.constant 0 : i32
        %dma_wait3A_525 = arith.constant 0 : i32
        %dma_wait3A_526 = tpu.memref_slice %arg13[%run_scoped3A_342, %dma_wait3A_524, %dma_wait3A_525] : memref<4x128x128xf32, #tpu.memory_space<vmem>> -> memref<1x128x128xf32, #tpu.memory_space<vmem>>
        %dma_wait3A_527 = tpu.memref_squeeze %dma_wait3A_526 : memref<1x128x128xf32, #tpu.memory_space<vmem>> -> memref<128x128xf32, #tpu.memory_space<vmem>>
        tpu.wait_dma2 semaphore(%run_scoped3A_503 : memref<!tpu.dma_semaphore, #tpu.memory_space<semaphore_mem>>) src(%dma_wait3A_527 : memref<128x128xf32, #tpu.memory_space<vmem>>) dst(%dma_wait3A_523 : memref<128x128xf32, #tpu.memory_space<hbm>>)
        tpu.yield
      }) : () -> ()
      %dma_wait3A_343 = arith.constant 2 : i32
      %dma_wait3A_344 = arith.constant 0 : i32
      %dma_wait3A_345 = arith.constant 0 : i32
      %dma_wait3A_346 = tpu.memref_slice %arg13[%dma_wait3A_343, %dma_wait3A_344, %dma_wait3A_345] : memref<4x128x128xf32, #tpu.memory_space<vmem>> -> memref<1x128x128xf32, #tpu.memory_space<vmem>>
      %dma_wait3A_347 = tpu.memref_squeeze %dma_wait3A_346 : memref<1x128x128xf32, #tpu.memory_space<vmem>> -> memref<128x128xf32, #tpu.memory_space<vmem>>
      %dma_wait3A_348 = arith.constant 0 : i32
      %dma_wait3A_349 = tpu.memref_slice %arg12[%add3A_284, %dma_wait3A_348] : memref<256x128xi32, #tpu.memory_space<vmem>> -> memref<1x128xi32, #tpu.memory_space<vmem>>
      %dma_wait3A_350 = tpu.memref_squeeze %dma_wait3A_349 : memref<1x128xi32, #tpu.memory_space<vmem>> -> memref<128xi32, #tpu.memory_space<vmem>>
      %dma_wait3A_351 = arith.constant 0 : i32
      %dma_wait3A_352 = arith.constant 0 : i32
      %dma_wait3A_353 = tpu.memref_slice %arg6[%dma_wait3A_351, %dma_wait3A_352] : memref<100000x128xf32, #tpu.memory_space<hbm>> -> memref<100000x128xf32, #tpu.memory_space<hbm>>
      tpu.wait_indirect_dma semaphore(%arg14 : memref<!tpu.dma_semaphore, #tpu.memory_space<semaphore_mem>>) src(%dma_wait3A_353 : memref<100000x128xf32, #tpu.memory_space<hbm>>) dst(%dma_wait3A_347 : memref<128x128xf32, #tpu.memory_space<vmem>>)
      %add3A_354 = arith.constant 2 : i32
      %add3A_355 = arith.addi %add3A_256, %add3A_354 : i32
      %mul3A_356 = arith.constant 128 : i32
      %mul3A_357 = arith.muli %add3A_355, %mul3A_356 : i32
      %add3A_358 = arith.addi %mul3A_247, %mul3A_357 : i32
      %run_scoped3A_359 = arith.constant 2 : i32
      "tpu.region"() ({
        %run_scoped3A_503 = tpu.sem_alloc : memref<!tpu.dma_semaphore, #tpu.memory_space<semaphore_mem>>
        %dma_start3A_504 = arith.constant 0 : i32
        %dma_start3A_505 = arith.constant 0 : i32
        %dma_start3A_506 = tpu.memref_slice %arg13[%run_scoped3A_359, %dma_start3A_504, %dma_start3A_505] : memref<4x128x128xf32, #tpu.memory_space<vmem>> -> memref<1x128x128xf32, #tpu.memory_space<vmem>>
        %dma_start3A_507 = tpu.memref_squeeze %dma_start3A_506 : memref<1x128x128xf32, #tpu.memory_space<vmem>> -> memref<128x128xf32, #tpu.memory_space<vmem>>
        %dma_start3A_508 = arith.constant 0 : i32
        %dma_start3A_509 = tpu.memref_slice %arg9[%add3A_358, %dma_start3A_508] : memref<1048576x128xf32, #tpu.memory_space<hbm>> -> memref<128x128xf32, #tpu.memory_space<hbm>>
        %dma_start3A_510 = arith.constant 0 : i32
        %dma_start3A_511 = tpu.memref_slice %arg9[%add3A_358, %dma_start3A_510] : memref<1048576x128xf32, #tpu.memory_space<hbm>> -> memref<128x128xf32, #tpu.memory_space<hbm>>
        %dma_start3A_512 = arith.constant 0 : i32
        %dma_start3A_513 = arith.constant 0 : i32
        %dma_start3A_514 = tpu.memref_slice %arg13[%run_scoped3A_359, %dma_start3A_512, %dma_start3A_513] : memref<4x128x128xf32, #tpu.memory_space<vmem>> -> memref<1x128x128xf32, #tpu.memory_space<vmem>>
        %dma_start3A_515 = tpu.memref_squeeze %dma_start3A_514 : memref<1x128x128xf32, #tpu.memory_space<vmem>> -> memref<128x128xf32, #tpu.memory_space<vmem>>
        tpu.enqueue_dma source(%dma_start3A_515 : memref<128x128xf32, #tpu.memory_space<vmem>>) target(%dma_start3A_511 : memref<128x128xf32, #tpu.memory_space<hbm>>) target_semaphore(%run_scoped3A_503 : memref<!tpu.dma_semaphore, #tpu.memory_space<semaphore_mem>>)
        %dma_wait3A_516 = arith.constant 0 : i32
        %dma_wait3A_517 = arith.constant 0 : i32
        %dma_wait3A_518 = tpu.memref_slice %arg13[%run_scoped3A_359, %dma_wait3A_516, %dma_wait3A_517] : memref<4x128x128xf32, #tpu.memory_space<vmem>> -> memref<1x128x128xf32, #tpu.memory_space<vmem>>
        %dma_wait3A_519 = tpu.memref_squeeze %dma_wait3A_518 : memref<1x128x128xf32, #tpu.memory_space<vmem>> -> memref<128x128xf32, #tpu.memory_space<vmem>>
        %dma_wait3A_520 = arith.constant 0 : i32
        %dma_wait3A_521 = tpu.memref_slice %arg9[%add3A_358, %dma_wait3A_520] : memref<1048576x128xf32, #tpu.memory_space<hbm>> -> memref<128x128xf32, #tpu.memory_space<hbm>>
        %dma_wait3A_522 = arith.constant 0 : i32
        %dma_wait3A_523 = tpu.memref_slice %arg9[%add3A_358, %dma_wait3A_522] : memref<1048576x128xf32, #tpu.memory_space<hbm>> -> memref<128x128xf32, #tpu.memory_space<hbm>>
        %dma_wait3A_524 = arith.constant 0 : i32
        %dma_wait3A_525 = arith.constant 0 : i32
        %dma_wait3A_526 = tpu.memref_slice %arg13[%run_scoped3A_359, %dma_wait3A_524, %dma_wait3A_525] : memref<4x128x128xf32, #tpu.memory_space<vmem>> -> memref<1x128x128xf32, #tpu.memory_space<vmem>>
        %dma_wait3A_527 = tpu.memref_squeeze %dma_wait3A_526 : memref<1x128x128xf32, #tpu.memory_space<vmem>> -> memref<128x128xf32, #tpu.memory_space<vmem>>
        tpu.wait_dma2 semaphore(%run_scoped3A_503 : memref<!tpu.dma_semaphore, #tpu.memory_space<semaphore_mem>>) src(%dma_wait3A_527 : memref<128x128xf32, #tpu.memory_space<vmem>>) dst(%dma_wait3A_523 : memref<128x128xf32, #tpu.memory_space<hbm>>)
        tpu.yield
      }) : () -> ()
      %dma_wait3A_360 = arith.constant 3 : i32
      %dma_wait3A_361 = arith.constant 0 : i32
      %dma_wait3A_362 = arith.constant 0 : i32
      %dma_wait3A_363 = tpu.memref_slice %arg13[%dma_wait3A_360, %dma_wait3A_361, %dma_wait3A_362] : memref<4x128x128xf32, #tpu.memory_space<vmem>> -> memref<1x128x128xf32, #tpu.memory_space<vmem>>
      %dma_wait3A_364 = tpu.memref_squeeze %dma_wait3A_363 : memref<1x128x128xf32, #tpu.memory_space<vmem>> -> memref<128x128xf32, #tpu.memory_space<vmem>>
      %dma_wait3A_365 = arith.constant 0 : i32
      %dma_wait3A_366 = tpu.memref_slice %arg12[%add3A_297, %dma_wait3A_365] : memref<256x128xi32, #tpu.memory_space<vmem>> -> memref<1x128xi32, #tpu.memory_space<vmem>>
      %dma_wait3A_367 = tpu.memref_squeeze %dma_wait3A_366 : memref<1x128xi32, #tpu.memory_space<vmem>> -> memref<128xi32, #tpu.memory_space<vmem>>
      %dma_wait3A_368 = arith.constant 0 : i32
      %dma_wait3A_369 = arith.constant 0 : i32
      %dma_wait3A_370 = tpu.memref_slice %arg6[%dma_wait3A_368, %dma_wait3A_369] : memref<100000x128xf32, #tpu.memory_space<hbm>> -> memref<100000x128xf32, #tpu.memory_space<hbm>>
      tpu.wait_indirect_dma semaphore(%arg14 : memref<!tpu.dma_semaphore, #tpu.memory_space<semaphore_mem>>) src(%dma_wait3A_370 : memref<100000x128xf32, #tpu.memory_space<hbm>>) dst(%dma_wait3A_364 : memref<128x128xf32, #tpu.memory_space<vmem>>)
      %add3A_371 = arith.constant 3 : i32
      %add3A_372 = arith.addi %add3A_256, %add3A_371 : i32
      %mul3A_373 = arith.constant 128 : i32
      %mul3A_374 = arith.muli %add3A_372, %mul3A_373 : i32
      %add3A_375 = arith.addi %mul3A_247, %mul3A_374 : i32
      %run_scoped3A_376 = arith.constant 3 : i32
      "tpu.region"() ({
        %run_scoped3A_503 = tpu.sem_alloc : memref<!tpu.dma_semaphore, #tpu.memory_space<semaphore_mem>>
        %dma_start3A_504 = arith.constant 0 : i32
        %dma_start3A_505 = arith.constant 0 : i32
        %dma_start3A_506 = tpu.memref_slice %arg13[%run_scoped3A_376, %dma_start3A_504, %dma_start3A_505] : memref<4x128x128xf32, #tpu.memory_space<vmem>> -> memref<1x128x128xf32, #tpu.memory_space<vmem>>
        %dma_start3A_507 = tpu.memref_squeeze %dma_start3A_506 : memref<1x128x128xf32, #tpu.memory_space<vmem>> -> memref<128x128xf32, #tpu.memory_space<vmem>>
        %dma_start3A_508 = arith.constant 0 : i32
        %dma_start3A_509 = tpu.memref_slice %arg9[%add3A_375, %dma_start3A_508] : memref<1048576x128xf32, #tpu.memory_space<hbm>> -> memref<128x128xf32, #tpu.memory_space<hbm>>
        %dma_start3A_510 = arith.constant 0 : i32
        %dma_start3A_511 = tpu.memref_slice %arg9[%add3A_375, %dma_start3A_510] : memref<1048576x128xf32, #tpu.memory_space<hbm>> -> memref<128x128xf32, #tpu.memory_space<hbm>>
        %dma_start3A_512 = arith.constant 0 : i32
        %dma_start3A_513 = arith.constant 0 : i32
        %dma_start3A_514 = tpu.memref_slice %arg13[%run_scoped3A_376, %dma_start3A_512, %dma_start3A_513] : memref<4x128x128xf32, #tpu.memory_space<vmem>> -> memref<1x128x128xf32, #tpu.memory_space<vmem>>
        %dma_start3A_515 = tpu.memref_squeeze %dma_start3A_514 : memref<1x128x128xf32, #tpu.memory_space<vmem>> -> memref<128x128xf32, #tpu.memory_space<vmem>>
        tpu.enqueue_dma source(%dma_start3A_515 : memref<128x128xf32, #tpu.memory_space<vmem>>) target(%dma_start3A_511 : memref<128x128xf32, #tpu.memory_space<hbm>>) target_semaphore(%run_scoped3A_503 : memref<!tpu.dma_semaphore, #tpu.memory_space<semaphore_mem>>)
        %dma_wait3A_516 = arith.constant 0 : i32
        %dma_wait3A_517 = arith.constant 0 : i32
        %dma_wait3A_518 = tpu.memref_slice %arg13[%run_scoped3A_376, %dma_wait3A_516, %dma_wait3A_517] : memref<4x128x128xf32, #tpu.memory_space<vmem>> -> memref<1x128x128xf32, #tpu.memory_space<vmem>>
        %dma_wait3A_519 = tpu.memref_squeeze %dma_wait3A_518 : memref<1x128x128xf32, #tpu.memory_space<vmem>> -> memref<128x128xf32, #tpu.memory_space<vmem>>
        %dma_wait3A_520 = arith.constant 0 : i32
        %dma_wait3A_521 = tpu.memref_slice %arg9[%add3A_375, %dma_wait3A_520] : memref<1048576x128xf32, #tpu.memory_space<hbm>> -> memref<128x128xf32, #tpu.memory_space<hbm>>
        %dma_wait3A_522 = arith.constant 0 : i32
        %dma_wait3A_523 = tpu.memref_slice %arg9[%add3A_375, %dma_wait3A_522] : memref<1048576x128xf32, #tpu.memory_space<hbm>> -> memref<128x128xf32, #tpu.memory_space<hbm>>
        %dma_wait3A_524 = arith.constant 0 : i32
        %dma_wait3A_525 = arith.constant 0 : i32
        %dma_wait3A_526 = tpu.memref_slice %arg13[%run_scoped3A_376, %dma_wait3A_524, %dma_wait3A_525] : memref<4x128x128xf32, #tpu.memory_space<vmem>> -> memref<1x128x128xf32, #tpu.memory_space<vmem>>
        %dma_wait3A_527 = tpu.memref_squeeze %dma_wait3A_526 : memref<1x128x128xf32, #tpu.memory_space<vmem>> -> memref<128x128xf32, #tpu.memory_space<vmem>>
        tpu.wait_dma2 semaphore(%run_scoped3A_503 : memref<!tpu.dma_semaphore, #tpu.memory_space<semaphore_mem>>) src(%dma_wait3A_527 : memref<128x128xf32, #tpu.memory_space<vmem>>) dst(%dma_wait3A_523 : memref<128x128xf32, #tpu.memory_space<hbm>>)
        tpu.yield
      }) : () -> ()
      %scan3A_377 = arith.constant 1 : i32
      %scan3A_378 = arith.addi %scan3A_252, %scan3A_377 : i32
      %mul3A_379 = arith.constant 4 : i32
      %mul3A_380 = arith.muli %scan3A_378, %mul3A_379 : i32
      %add3A_381 = arith.constant 0 : i32
      %add3A_382 = arith.addi %add3A_381, %mul3A_380 : i32
      %add3A_383 = arith.constant 0 : i32
      %add3A_384 = arith.addi %add3A_382, %add3A_383 : i32
      %dma_start3A_385 = arith.constant 0 : i32
      %dma_start3A_386 = arith.constant 0 : i32
      %dma_start3A_387 = arith.constant 0 : i32
      %dma_start3A_388 = tpu.memref_slice %arg13[%dma_start3A_385, %dma_start3A_386, %dma_start3A_387] : memref<4x128x128xf32, #tpu.memory_space<vmem>> -> memref<1x128x128xf32, #tpu.memory_space<vmem>>
      %dma_start3A_389 = tpu.memref_squeeze %dma_start3A_388 : memref<1x128x128xf32, #tpu.memory_space<vmem>> -> memref<128x128xf32, #tpu.memory_space<vmem>>
      %dma_start3A_390 = arith.constant 0 : i32
      %dma_start3A_391 = tpu.memref_slice %arg12[%add3A_384, %dma_start3A_390] : memref<256x128xi32, #tpu.memory_space<vmem>> -> memref<1x128xi32, #tpu.memory_space<vmem>>
      %dma_start3A_392 = tpu.memref_squeeze %dma_start3A_391 : memref<1x128xi32, #tpu.memory_space<vmem>> -> memref<128xi32, #tpu.memory_space<vmem>>
      %dma_start3A_393 = arith.constant 0 : i32
      %dma_start3A_394 = arith.constant 0 : i32
      %dma_start3A_395 = tpu.memref_slice %arg6[%dma_start3A_393, %dma_start3A_394] : memref<100000x128xf32, #tpu.memory_space<hbm>> -> memref<100000x128xf32, #tpu.memory_space<hbm>>
      tpu.enqueue_indirect_dma source(%dma_start3A_395 : memref<100000x128xf32, #tpu.memory_space<hbm>>) target(%dma_start3A_389 : memref<128x128xf32, #tpu.memory_space<vmem>>) offsets(%dma_start3A_392 : memref<128xi32, #tpu.memory_space<vmem>>) semaphore(%arg14 : memref<!tpu.dma_semaphore, #tpu.memory_space<semaphore_mem>>)
      %add3A_396 = arith.constant 1 : i32
      %add3A_397 = arith.addi %add3A_382, %add3A_396 : i32
      %dma_start3A_398 = arith.constant 1 : i32
      %dma_start3A_399 = arith.constant 0 : i32
      %dma_start3A_400 = arith.constant 0 : i32
      %dma_start3A_401 = tpu.memref_slice %arg13[%dma_start3A_398, %dma_start3A_399, %dma_start3A_400] : memref<4x128x128xf32, #tpu.memory_space<vmem>> -> memref<1x128x128xf32, #tpu.memory_space<vmem>>
      %dma_start3A_402 = tpu.memref_squeeze %dma_start3A_401 : memref<1x128x128xf32, #tpu.memory_space<vmem>> -> memref<128x128xf32, #tpu.memory_space<vmem>>
      %dma_start3A_403 = arith.constant 0 : i32
      %dma_start3A_404 = tpu.memref_slice %arg12[%add3A_397, %dma_start3A_403] : memref<256x128xi32, #tpu.memory_space<vmem>> -> memref<1x128xi32, #tpu.memory_space<vmem>>
      %dma_start3A_405 = tpu.memref_squeeze %dma_start3A_404 : memref<1x128xi32, #tpu.memory_space<vmem>> -> memref<128xi32, #tpu.memory_space<vmem>>
      %dma_start3A_406 = arith.constant 0 : i32
      %dma_start3A_407 = arith.constant 0 : i32
      %dma_start3A_408 = tpu.memref_slice %arg6[%dma_start3A_406, %dma_start3A_407] : memref<100000x128xf32, #tpu.memory_space<hbm>> -> memref<100000x128xf32, #tpu.memory_space<hbm>>
      tpu.enqueue_indirect_dma source(%dma_start3A_408 : memref<100000x128xf32, #tpu.memory_space<hbm>>) target(%dma_start3A_402 : memref<128x128xf32, #tpu.memory_space<vmem>>) offsets(%dma_start3A_405 : memref<128xi32, #tpu.memory_space<vmem>>) semaphore(%arg14 : memref<!tpu.dma_semaphore, #tpu.memory_space<semaphore_mem>>)
      %add3A_409 = arith.constant 2 : i32
      %add3A_410 = arith.addi %add3A_382, %add3A_409 : i32
      %dma_start3A_411 = arith.constant 2 : i32
      %dma_start3A_412 = arith.constant 0 : i32
      %dma_start3A_413 = arith.constant 0 : i32
      %dma_start3A_414 = tpu.memref_slice %arg13[%dma_start3A_411, %dma_start3A_412, %dma_start3A_413] : memref<4x128x128xf32, #tpu.memory_space<vmem>> -> memref<1x128x128xf32, #tpu.memory_space<vmem>>
      %dma_start3A_415 = tpu.memref_squeeze %dma_start3A_414 : memref<1x128x128xf32, #tpu.memory_space<vmem>> -> memref<128x128xf32, #tpu.memory_space<vmem>>
      %dma_start3A_416 = arith.constant 0 : i32
      %dma_start3A_417 = tpu.memref_slice %arg12[%add3A_410, %dma_start3A_416] : memref<256x128xi32, #tpu.memory_space<vmem>> -> memref<1x128xi32, #tpu.memory_space<vmem>>
      %dma_start3A_418 = tpu.memref_squeeze %dma_start3A_417 : memref<1x128xi32, #tpu.memory_space<vmem>> -> memref<128xi32, #tpu.memory_space<vmem>>
      %dma_start3A_419 = arith.constant 0 : i32
      %dma_start3A_420 = arith.constant 0 : i32
      %dma_start3A_421 = tpu.memref_slice %arg6[%dma_start3A_419, %dma_start3A_420] : memref<100000x128xf32, #tpu.memory_space<hbm>> -> memref<100000x128xf32, #tpu.memory_space<hbm>>
      tpu.enqueue_indirect_dma source(%dma_start3A_421 : memref<100000x128xf32, #tpu.memory_space<hbm>>) target(%dma_start3A_415 : memref<128x128xf32, #tpu.memory_space<vmem>>) offsets(%dma_start3A_418 : memref<128xi32, #tpu.memory_space<vmem>>) semaphore(%arg14 : memref<!tpu.dma_semaphore, #tpu.memory_space<semaphore_mem>>)
      %add3A_422 = arith.constant 3 : i32
      %add3A_423 = arith.addi %add3A_382, %add3A_422 : i32
      %dma_start3A_424 = arith.constant 3 : i32
      %dma_start3A_425 = arith.constant 0 : i32
      %dma_start3A_426 = arith.constant 0 : i32
      %dma_start3A_427 = tpu.memref_slice %arg13[%dma_start3A_424, %dma_start3A_425, %dma_start3A_426] : memref<4x128x128xf32, #tpu.memory_space<vmem>> -> memref<1x128x128xf32, #tpu.memory_space<vmem>>
      %dma_start3A_428 = tpu.memref_squeeze %dma_start3A_427 : memref<1x128x128xf32, #tpu.memory_space<vmem>> -> memref<128x128xf32, #tpu.memory_space<vmem>>
      %dma_start3A_429 = arith.constant 0 : i32
      %dma_start3A_430 = tpu.memref_slice %arg12[%add3A_423, %dma_start3A_429] : memref<256x128xi32, #tpu.memory_space<vmem>> -> memref<1x128xi32, #tpu.memory_space<vmem>>
      %dma_start3A_431 = tpu.memref_squeeze %dma_start3A_430 : memref<1x128xi32, #tpu.memory_space<vmem>> -> memref<128xi32, #tpu.memory_space<vmem>>
      %dma_start3A_432 = arith.constant 0 : i32
      %dma_start3A_433 = arith.constant 0 : i32
      %dma_start3A_434 = tpu.memref_slice %arg6[%dma_start3A_432, %dma_start3A_433] : memref<100000x128xf32, #tpu.memory_space<hbm>> -> memref<100000x128xf32, #tpu.memory_space<hbm>>
      tpu.enqueue_indirect_dma source(%dma_start3A_434 : memref<100000x128xf32, #tpu.memory_space<hbm>>) target(%dma_start3A_428 : memref<128x128xf32, #tpu.memory_space<vmem>>) offsets(%dma_start3A_431 : memref<128xi32, #tpu.memory_space<vmem>>) semaphore(%arg14 : memref<!tpu.dma_semaphore, #tpu.memory_space<semaphore_mem>>)
      %dma_wait3A_435 = arith.constant 0 : i32
      %dma_wait3A_436 = arith.constant 0 : i32
      %dma_wait3A_437 = arith.constant 0 : i32
      %dma_wait3A_438 = tpu.memref_slice %arg13[%dma_wait3A_435, %dma_wait3A_436, %dma_wait3A_437] : memref<4x128x128xf32, #tpu.memory_space<vmem>> -> memref<1x128x128xf32, #tpu.memory_space<vmem>>
      %dma_wait3A_439 = tpu.memref_squeeze %dma_wait3A_438 : memref<1x128x128xf32, #tpu.memory_space<vmem>> -> memref<128x128xf32, #tpu.memory_space<vmem>>
      %dma_wait3A_440 = arith.constant 0 : i32
      %dma_wait3A_441 = tpu.memref_slice %arg12[%add3A_384, %dma_wait3A_440] : memref<256x128xi32, #tpu.memory_space<vmem>> -> memref<1x128xi32, #tpu.memory_space<vmem>>
      %dma_wait3A_442 = tpu.memref_squeeze %dma_wait3A_441 : memref<1x128xi32, #tpu.memory_space<vmem>> -> memref<128xi32, #tpu.memory_space<vmem>>
      %dma_wait3A_443 = arith.constant 0 : i32
      %dma_wait3A_444 = arith.constant 0 : i32
      %dma_wait3A_445 = tpu.memref_slice %arg6[%dma_wait3A_443, %dma_wait3A_444] : memref<100000x128xf32, #tpu.memory_space<hbm>> -> memref<100000x128xf32, #tpu.memory_space<hbm>>
      tpu.wait_indirect_dma semaphore(%arg14 : memref<!tpu.dma_semaphore, #tpu.memory_space<semaphore_mem>>) src(%dma_wait3A_445 : memref<100000x128xf32, #tpu.memory_space<hbm>>) dst(%dma_wait3A_439 : memref<128x128xf32, #tpu.memory_space<vmem>>)
      %add3A_446 = arith.constant 0 : i32
      %add3A_447 = arith.addi %add3A_382, %add3A_446 : i32
      %mul3A_448 = arith.constant 128 : i32
      %mul3A_449 = arith.muli %add3A_447, %mul3A_448 : i32
      %add3A_450 = arith.addi %mul3A_247, %mul3A_449 : i32
      %run_scoped3A_451 = arith.constant 0 : i32
      "tpu.region"() ({
        %run_scoped3A_503 = tpu.sem_alloc : memref<!tpu.dma_semaphore, #tpu.memory_space<semaphore_mem>>
        %dma_start3A_504 = arith.constant 0 : i32
        %dma_start3A_505 = arith.constant 0 : i32
        %dma_start3A_506 = tpu.memref_slice %arg13[%run_scoped3A_451, %dma_start3A_504, %dma_start3A_505] : memref<4x128x128xf32, #tpu.memory_space<vmem>> -> memref<1x128x128xf32, #tpu.memory_space<vmem>>
        %dma_start3A_507 = tpu.memref_squeeze %dma_start3A_506 : memref<1x128x128xf32, #tpu.memory_space<vmem>> -> memref<128x128xf32, #tpu.memory_space<vmem>>
        %dma_start3A_508 = arith.constant 0 : i32
        %dma_start3A_509 = tpu.memref_slice %arg9[%add3A_450, %dma_start3A_508] : memref<1048576x128xf32, #tpu.memory_space<hbm>> -> memref<128x128xf32, #tpu.memory_space<hbm>>
        %dma_start3A_510 = arith.constant 0 : i32
        %dma_start3A_511 = tpu.memref_slice %arg9[%add3A_450, %dma_start3A_510] : memref<1048576x128xf32, #tpu.memory_space<hbm>> -> memref<128x128xf32, #tpu.memory_space<hbm>>
        %dma_start3A_512 = arith.constant 0 : i32
        %dma_start3A_513 = arith.constant 0 : i32
        %dma_start3A_514 = tpu.memref_slice %arg13[%run_scoped3A_451, %dma_start3A_512, %dma_start3A_513] : memref<4x128x128xf32, #tpu.memory_space<vmem>> -> memref<1x128x128xf32, #tpu.memory_space<vmem>>
        %dma_start3A_515 = tpu.memref_squeeze %dma_start3A_514 : memref<1x128x128xf32, #tpu.memory_space<vmem>> -> memref<128x128xf32, #tpu.memory_space<vmem>>
        tpu.enqueue_dma source(%dma_start3A_515 : memref<128x128xf32, #tpu.memory_space<vmem>>) target(%dma_start3A_511 : memref<128x128xf32, #tpu.memory_space<hbm>>) target_semaphore(%run_scoped3A_503 : memref<!tpu.dma_semaphore, #tpu.memory_space<semaphore_mem>>)
        %dma_wait3A_516 = arith.constant 0 : i32
        %dma_wait3A_517 = arith.constant 0 : i32
        %dma_wait3A_518 = tpu.memref_slice %arg13[%run_scoped3A_451, %dma_wait3A_516, %dma_wait3A_517] : memref<4x128x128xf32, #tpu.memory_space<vmem>> -> memref<1x128x128xf32, #tpu.memory_space<vmem>>
        %dma_wait3A_519 = tpu.memref_squeeze %dma_wait3A_518 : memref<1x128x128xf32, #tpu.memory_space<vmem>> -> memref<128x128xf32, #tpu.memory_space<vmem>>
        %dma_wait3A_520 = arith.constant 0 : i32
        %dma_wait3A_521 = tpu.memref_slice %arg9[%add3A_450, %dma_wait3A_520] : memref<1048576x128xf32, #tpu.memory_space<hbm>> -> memref<128x128xf32, #tpu.memory_space<hbm>>
        %dma_wait3A_522 = arith.constant 0 : i32
        %dma_wait3A_523 = tpu.memref_slice %arg9[%add3A_450, %dma_wait3A_522] : memref<1048576x128xf32, #tpu.memory_space<hbm>> -> memref<128x128xf32, #tpu.memory_space<hbm>>
        %dma_wait3A_524 = arith.constant 0 : i32
        %dma_wait3A_525 = arith.constant 0 : i32
        %dma_wait3A_526 = tpu.memref_slice %arg13[%run_scoped3A_451, %dma_wait3A_524, %dma_wait3A_525] : memref<4x128x128xf32, #tpu.memory_space<vmem>> -> memref<1x128x128xf32, #tpu.memory_space<vmem>>
        %dma_wait3A_527 = tpu.memref_squeeze %dma_wait3A_526 : memref<1x128x128xf32, #tpu.memory_space<vmem>> -> memref<128x128xf32, #tpu.memory_space<vmem>>
        tpu.wait_dma2 semaphore(%run_scoped3A_503 : memref<!tpu.dma_semaphore, #tpu.memory_space<semaphore_mem>>) src(%dma_wait3A_527 : memref<128x128xf32, #tpu.memory_space<vmem>>) dst(%dma_wait3A_523 : memref<128x128xf32, #tpu.memory_space<hbm>>)
        tpu.yield
      }) : () -> ()
      %dma_wait3A_452 = arith.constant 1 : i32
      %dma_wait3A_453 = arith.constant 0 : i32
      %dma_wait3A_454 = arith.constant 0 : i32
      %dma_wait3A_455 = tpu.memref_slice %arg13[%dma_wait3A_452, %dma_wait3A_453, %dma_wait3A_454] : memref<4x128x128xf32, #tpu.memory_space<vmem>> -> memref<1x128x128xf32, #tpu.memory_space<vmem>>
      %dma_wait3A_456 = tpu.memref_squeeze %dma_wait3A_455 : memref<1x128x128xf32, #tpu.memory_space<vmem>> -> memref<128x128xf32, #tpu.memory_space<vmem>>
      %dma_wait3A_457 = arith.constant 0 : i32
      %dma_wait3A_458 = tpu.memref_slice %arg12[%add3A_397, %dma_wait3A_457] : memref<256x128xi32, #tpu.memory_space<vmem>> -> memref<1x128xi32, #tpu.memory_space<vmem>>
      %dma_wait3A_459 = tpu.memref_squeeze %dma_wait3A_458 : memref<1x128xi32, #tpu.memory_space<vmem>> -> memref<128xi32, #tpu.memory_space<vmem>>
      %dma_wait3A_460 = arith.constant 0 : i32
      %dma_wait3A_461 = arith.constant 0 : i32
      %dma_wait3A_462 = tpu.memref_slice %arg6[%dma_wait3A_460, %dma_wait3A_461] : memref<100000x128xf32, #tpu.memory_space<hbm>> -> memref<100000x128xf32, #tpu.memory_space<hbm>>
      tpu.wait_indirect_dma semaphore(%arg14 : memref<!tpu.dma_semaphore, #tpu.memory_space<semaphore_mem>>) src(%dma_wait3A_462 : memref<100000x128xf32, #tpu.memory_space<hbm>>) dst(%dma_wait3A_456 : memref<128x128xf32, #tpu.memory_space<vmem>>)
      %add3A_463 = arith.constant 1 : i32
      %add3A_464 = arith.addi %add3A_382, %add3A_463 : i32
      %mul3A_465 = arith.constant 128 : i32
      %mul3A_466 = arith.muli %add3A_464, %mul3A_465 : i32
      %add3A_467 = arith.addi %mul3A_247, %mul3A_466 : i32
      %run_scoped3A_468 = arith.constant 1 : i32
      "tpu.region"() ({
        %run_scoped3A_503 = tpu.sem_alloc : memref<!tpu.dma_semaphore, #tpu.memory_space<semaphore_mem>>
        %dma_start3A_504 = arith.constant 0 : i32
        %dma_start3A_505 = arith.constant 0 : i32
        %dma_start3A_506 = tpu.memref_slice %arg13[%run_scoped3A_468, %dma_start3A_504, %dma_start3A_505] : memref<4x128x128xf32, #tpu.memory_space<vmem>> -> memref<1x128x128xf32, #tpu.memory_space<vmem>>
        %dma_start3A_507 = tpu.memref_squeeze %dma_start3A_506 : memref<1x128x128xf32, #tpu.memory_space<vmem>> -> memref<128x128xf32, #tpu.memory_space<vmem>>
        %dma_start3A_508 = arith.constant 0 : i32
        %dma_start3A_509 = tpu.memref_slice %arg9[%add3A_467, %dma_start3A_508] : memref<1048576x128xf32, #tpu.memory_space<hbm>> -> memref<128x128xf32, #tpu.memory_space<hbm>>
        %dma_start3A_510 = arith.constant 0 : i32
        %dma_start3A_511 = tpu.memref_slice %arg9[%add3A_467, %dma_start3A_510] : memref<1048576x128xf32, #tpu.memory_space<hbm>> -> memref<128x128xf32, #tpu.memory_space<hbm>>
        %dma_start3A_512 = arith.constant 0 : i32
        %dma_start3A_513 = arith.constant 0 : i32
        %dma_start3A_514 = tpu.memref_slice %arg13[%run_scoped3A_468, %dma_start3A_512, %dma_start3A_513] : memref<4x128x128xf32, #tpu.memory_space<vmem>> -> memref<1x128x128xf32, #tpu.memory_space<vmem>>
        %dma_start3A_515 = tpu.memref_squeeze %dma_start3A_514 : memref<1x128x128xf32, #tpu.memory_space<vmem>> -> memref<128x128xf32, #tpu.memory_space<vmem>>
        tpu.enqueue_dma source(%dma_start3A_515 : memref<128x128xf32, #tpu.memory_space<vmem>>) target(%dma_start3A_511 : memref<128x128xf32, #tpu.memory_space<hbm>>) target_semaphore(%run_scoped3A_503 : memref<!tpu.dma_semaphore, #tpu.memory_space<semaphore_mem>>)
        %dma_wait3A_516 = arith.constant 0 : i32
        %dma_wait3A_517 = arith.constant 0 : i32
        %dma_wait3A_518 = tpu.memref_slice %arg13[%run_scoped3A_468, %dma_wait3A_516, %dma_wait3A_517] : memref<4x128x128xf32, #tpu.memory_space<vmem>> -> memref<1x128x128xf32, #tpu.memory_space<vmem>>
        %dma_wait3A_519 = tpu.memref_squeeze %dma_wait3A_518 : memref<1x128x128xf32, #tpu.memory_space<vmem>> -> memref<128x128xf32, #tpu.memory_space<vmem>>
        %dma_wait3A_520 = arith.constant 0 : i32
        %dma_wait3A_521 = tpu.memref_slice %arg9[%add3A_467, %dma_wait3A_520] : memref<1048576x128xf32, #tpu.memory_space<hbm>> -> memref<128x128xf32, #tpu.memory_space<hbm>>
        %dma_wait3A_522 = arith.constant 0 : i32
        %dma_wait3A_523 = tpu.memref_slice %arg9[%add3A_467, %dma_wait3A_522] : memref<1048576x128xf32, #tpu.memory_space<hbm>> -> memref<128x128xf32, #tpu.memory_space<hbm>>
        %dma_wait3A_524 = arith.constant 0 : i32
        %dma_wait3A_525 = arith.constant 0 : i32
        %dma_wait3A_526 = tpu.memref_slice %arg13[%run_scoped3A_468, %dma_wait3A_524, %dma_wait3A_525] : memref<4x128x128xf32, #tpu.memory_space<vmem>> -> memref<1x128x128xf32, #tpu.memory_space<vmem>>
        %dma_wait3A_527 = tpu.memref_squeeze %dma_wait3A_526 : memref<1x128x128xf32, #tpu.memory_space<vmem>> -> memref<128x128xf32, #tpu.memory_space<vmem>>
        tpu.wait_dma2 semaphore(%run_scoped3A_503 : memref<!tpu.dma_semaphore, #tpu.memory_space<semaphore_mem>>) src(%dma_wait3A_527 : memref<128x128xf32, #tpu.memory_space<vmem>>) dst(%dma_wait3A_523 : memref<128x128xf32, #tpu.memory_space<hbm>>)
        tpu.yield
      }) : () -> ()
      %dma_wait3A_469 = arith.constant 2 : i32
      %dma_wait3A_470 = arith.constant 0 : i32
      %dma_wait3A_471 = arith.constant 0 : i32
      %dma_wait3A_472 = tpu.memref_slice %arg13[%dma_wait3A_469, %dma_wait3A_470, %dma_wait3A_471] : memref<4x128x128xf32, #tpu.memory_space<vmem>> -> memref<1x128x128xf32, #tpu.memory_space<vmem>>
      %dma_wait3A_473 = tpu.memref_squeeze %dma_wait3A_472 : memref<1x128x128xf32, #tpu.memory_space<vmem>> -> memref<128x128xf32, #tpu.memory_space<vmem>>
      %dma_wait3A_474 = arith.constant 0 : i32
      %dma_wait3A_475 = tpu.memref_slice %arg12[%add3A_410, %dma_wait3A_474] : memref<256x128xi32, #tpu.memory_space<vmem>> -> memref<1x128xi32, #tpu.memory_space<vmem>>
      %dma_wait3A_476 = tpu.memref_squeeze %dma_wait3A_475 : memref<1x128xi32, #tpu.memory_space<vmem>> -> memref<128xi32, #tpu.memory_space<vmem>>
      %dma_wait3A_477 = arith.constant 0 : i32
      %dma_wait3A_478 = arith.constant 0 : i32
      %dma_wait3A_479 = tpu.memref_slice %arg6[%dma_wait3A_477, %dma_wait3A_478] : memref<100000x128xf32, #tpu.memory_space<hbm>> -> memref<100000x128xf32, #tpu.memory_space<hbm>>
      tpu.wait_indirect_dma semaphore(%arg14 : memref<!tpu.dma_semaphore, #tpu.memory_space<semaphore_mem>>) src(%dma_wait3A_479 : memref<100000x128xf32, #tpu.memory_space<hbm>>) dst(%dma_wait3A_473 : memref<128x128xf32, #tpu.memory_space<vmem>>)
      %add3A_480 = arith.constant 2 : i32
      %add3A_481 = arith.addi %add3A_382, %add3A_480 : i32
      %mul3A_482 = arith.constant 128 : i32
      %mul3A_483 = arith.muli %add3A_481, %mul3A_482 : i32
      %add3A_484 = arith.addi %mul3A_247, %mul3A_483 : i32
      %run_scoped3A_485 = arith.constant 2 : i32
      "tpu.region"() ({
        %run_scoped3A_503 = tpu.sem_alloc : memref<!tpu.dma_semaphore, #tpu.memory_space<semaphore_mem>>
        %dma_start3A_504 = arith.constant 0 : i32
        %dma_start3A_505 = arith.constant 0 : i32
        %dma_start3A_506 = tpu.memref_slice %arg13[%run_scoped3A_485, %dma_start3A_504, %dma_start3A_505] : memref<4x128x128xf32, #tpu.memory_space<vmem>> -> memref<1x128x128xf32, #tpu.memory_space<vmem>>
        %dma_start3A_507 = tpu.memref_squeeze %dma_start3A_506 : memref<1x128x128xf32, #tpu.memory_space<vmem>> -> memref<128x128xf32, #tpu.memory_space<vmem>>
        %dma_start3A_508 = arith.constant 0 : i32
        %dma_start3A_509 = tpu.memref_slice %arg9[%add3A_484, %dma_start3A_508] : memref<1048576x128xf32, #tpu.memory_space<hbm>> -> memref<128x128xf32, #tpu.memory_space<hbm>>
        %dma_start3A_510 = arith.constant 0 : i32
        %dma_start3A_511 = tpu.memref_slice %arg9[%add3A_484, %dma_start3A_510] : memref<1048576x128xf32, #tpu.memory_space<hbm>> -> memref<128x128xf32, #tpu.memory_space<hbm>>
        %dma_start3A_512 = arith.constant 0 : i32
        %dma_start3A_513 = arith.constant 0 : i32
        %dma_start3A_514 = tpu.memref_slice %arg13[%run_scoped3A_485, %dma_start3A_512, %dma_start3A_513] : memref<4x128x128xf32, #tpu.memory_space<vmem>> -> memref<1x128x128xf32, #tpu.memory_space<vmem>>
        %dma_start3A_515 = tpu.memref_squeeze %dma_start3A_514 : memref<1x128x128xf32, #tpu.memory_space<vmem>> -> memref<128x128xf32, #tpu.memory_space<vmem>>
        tpu.enqueue_dma source(%dma_start3A_515 : memref<128x128xf32, #tpu.memory_space<vmem>>) target(%dma_start3A_511 : memref<128x128xf32, #tpu.memory_space<hbm>>) target_semaphore(%run_scoped3A_503 : memref<!tpu.dma_semaphore, #tpu.memory_space<semaphore_mem>>)
        %dma_wait3A_516 = arith.constant 0 : i32
        %dma_wait3A_517 = arith.constant 0 : i32
        %dma_wait3A_518 = tpu.memref_slice %arg13[%run_scoped3A_485, %dma_wait3A_516, %dma_wait3A_517] : memref<4x128x128xf32, #tpu.memory_space<vmem>> -> memref<1x128x128xf32, #tpu.memory_space<vmem>>
        %dma_wait3A_519 = tpu.memref_squeeze %dma_wait3A_518 : memref<1x128x128xf32, #tpu.memory_space<vmem>> -> memref<128x128xf32, #tpu.memory_space<vmem>>
        %dma_wait3A_520 = arith.constant 0 : i32
        %dma_wait3A_521 = tpu.memref_slice %arg9[%add3A_484, %dma_wait3A_520] : memref<1048576x128xf32, #tpu.memory_space<hbm>> -> memref<128x128xf32, #tpu.memory_space<hbm>>
        %dma_wait3A_522 = arith.constant 0 : i32
        %dma_wait3A_523 = tpu.memref_slice %arg9[%add3A_484, %dma_wait3A_522] : memref<1048576x128xf32, #tpu.memory_space<hbm>> -> memref<128x128xf32, #tpu.memory_space<hbm>>
        %dma_wait3A_524 = arith.constant 0 : i32
        %dma_wait3A_525 = arith.constant 0 : i32
        %dma_wait3A_526 = tpu.memref_slice %arg13[%run_scoped3A_485, %dma_wait3A_524, %dma_wait3A_525] : memref<4x128x128xf32, #tpu.memory_space<vmem>> -> memref<1x128x128xf32, #tpu.memory_space<vmem>>
        %dma_wait3A_527 = tpu.memref_squeeze %dma_wait3A_526 : memref<1x128x128xf32, #tpu.memory_space<vmem>> -> memref<128x128xf32, #tpu.memory_space<vmem>>
        tpu.wait_dma2 semaphore(%run_scoped3A_503 : memref<!tpu.dma_semaphore, #tpu.memory_space<semaphore_mem>>) src(%dma_wait3A_527 : memref<128x128xf32, #tpu.memory_space<vmem>>) dst(%dma_wait3A_523 : memref<128x128xf32, #tpu.memory_space<hbm>>)
        tpu.yield
      }) : () -> ()
      %dma_wait3A_486 = arith.constant 3 : i32
      %dma_wait3A_487 = arith.constant 0 : i32
      %dma_wait3A_488 = arith.constant 0 : i32
      %dma_wait3A_489 = tpu.memref_slice %arg13[%dma_wait3A_486, %dma_wait3A_487, %dma_wait3A_488] : memref<4x128x128xf32, #tpu.memory_space<vmem>> -> memref<1x128x128xf32, #tpu.memory_space<vmem>>
      %dma_wait3A_490 = tpu.memref_squeeze %dma_wait3A_489 : memref<1x128x128xf32, #tpu.memory_space<vmem>> -> memref<128x128xf32, #tpu.memory_space<vmem>>
      %dma_wait3A_491 = arith.constant 0 : i32
      %dma_wait3A_492 = tpu.memref_slice %arg12[%add3A_423, %dma_wait3A_491] : memref<256x128xi32, #tpu.memory_space<vmem>> -> memref<1x128xi32, #tpu.memory_space<vmem>>
      %dma_wait3A_493 = tpu.memref_squeeze %dma_wait3A_492 : memref<1x128xi32, #tpu.memory_space<vmem>> -> memref<128xi32, #tpu.memory_space<vmem>>
      %dma_wait3A_494 = arith.constant 0 : i32
      %dma_wait3A_495 = arith.constant 0 : i32
      %dma_wait3A_496 = tpu.memref_slice %arg6[%dma_wait3A_494, %dma_wait3A_495] : memref<100000x128xf32, #tpu.memory_space<hbm>> -> memref<100000x128xf32, #tpu.memory_space<hbm>>
      tpu.wait_indirect_dma semaphore(%arg14 : memref<!tpu.dma_semaphore, #tpu.memory_space<semaphore_mem>>) src(%dma_wait3A_496 : memref<100000x128xf32, #tpu.memory_space<hbm>>) dst(%dma_wait3A_490 : memref<128x128xf32, #tpu.memory_space<vmem>>)
      %add3A_497 = arith.constant 3 : i32
      %add3A_498 = arith.addi %add3A_382, %add3A_497 : i32
      %mul3A_499 = arith.constant 128 : i32
      %mul3A_500 = arith.muli %add3A_498, %mul3A_499 : i32
      %add3A_501 = arith.addi %mul3A_247, %mul3A_500 : i32
      %run_scoped3A_502 = arith.constant 3 : i32
      "tpu.region"() ({
        %run_scoped3A_503 = tpu.sem_alloc : memref<!tpu.dma_semaphore, #tpu.memory_space<semaphore_mem>>
        %dma_start3A_504 = arith.constant 0 : i32
        %dma_start3A_505 = arith.constant 0 : i32
        %dma_start3A_506 = tpu.memref_slice %arg13[%run_scoped3A_502, %dma_start3A_504, %dma_start3A_505] : memref<4x128x128xf32, #tpu.memory_space<vmem>> -> memref<1x128x128xf32, #tpu.memory_space<vmem>>
        %dma_start3A_507 = tpu.memref_squeeze %dma_start3A_506 : memref<1x128x128xf32, #tpu.memory_space<vmem>> -> memref<128x128xf32, #tpu.memory_space<vmem>>
        %dma_start3A_508 = arith.constant 0 : i32
        %dma_start3A_509 = tpu.memref_slice %arg9[%add3A_501, %dma_start3A_508] : memref<1048576x128xf32, #tpu.memory_space<hbm>> -> memref<128x128xf32, #tpu.memory_space<hbm>>
        %dma_start3A_510 = arith.constant 0 : i32
        %dma_start3A_511 = tpu.memref_slice %arg9[%add3A_501, %dma_start3A_510] : memref<1048576x128xf32, #tpu.memory_space<hbm>> -> memref<128x128xf32, #tpu.memory_space<hbm>>
        %dma_start3A_512 = arith.constant 0 : i32
        %dma_start3A_513 = arith.constant 0 : i32
        %dma_start3A_514 = tpu.memref_slice %arg13[%run_scoped3A_502, %dma_start3A_512, %dma_start3A_513] : memref<4x128x128xf32, #tpu.memory_space<vmem>> -> memref<1x128x128xf32, #tpu.memory_space<vmem>>
        %dma_start3A_515 = tpu.memref_squeeze %dma_start3A_514 : memref<1x128x128xf32, #tpu.memory_space<vmem>> -> memref<128x128xf32, #tpu.memory_space<vmem>>
        tpu.enqueue_dma source(%dma_start3A_515 : memref<128x128xf32, #tpu.memory_space<vmem>>) target(%dma_start3A_511 : memref<128x128xf32, #tpu.memory_space<hbm>>) target_semaphore(%run_scoped3A_503 : memref<!tpu.dma_semaphore, #tpu.memory_space<semaphore_mem>>)
        %dma_wait3A_516 = arith.constant 0 : i32
        %dma_wait3A_517 = arith.constant 0 : i32
        %dma_wait3A_518 = tpu.memref_slice %arg13[%run_scoped3A_502, %dma_wait3A_516, %dma_wait3A_517] : memref<4x128x128xf32, #tpu.memory_space<vmem>> -> memref<1x128x128xf32, #tpu.memory_space<vmem>>
        %dma_wait3A_519 = tpu.memref_squeeze %dma_wait3A_518 : memref<1x128x128xf32, #tpu.memory_space<vmem>> -> memref<128x128xf32, #tpu.memory_space<vmem>>
        %dma_wait3A_520 = arith.constant 0 : i32
        %dma_wait3A_521 = tpu.memref_slice %arg9[%add3A_501, %dma_wait3A_520] : memref<1048576x128xf32, #tpu.memory_space<hbm>> -> memref<128x128xf32, #tpu.memory_space<hbm>>
        %dma_wait3A_522 = arith.constant 0 : i32
        %dma_wait3A_523 = tpu.memref_slice %arg9[%add3A_501, %dma_wait3A_522] : memref<1048576x128xf32, #tpu.memory_space<hbm>> -> memref<128x128xf32, #tpu.memory_space<hbm>>
        %dma_wait3A_524 = arith.constant 0 : i32
        %dma_wait3A_525 = arith.constant 0 : i32
        %dma_wait3A_526 = tpu.memref_slice %arg13[%run_scoped3A_502, %dma_wait3A_524, %dma_wait3A_525] : memref<4x128x128xf32, #tpu.memory_space<vmem>> -> memref<1x128x128xf32, #tpu.memory_space<vmem>>
        %dma_wait3A_527 = tpu.memref_squeeze %dma_wait3A_526 : memref<1x128x128xf32, #tpu.memory_space<vmem>> -> memref<128x128xf32, #tpu.memory_space<vmem>>
        tpu.wait_dma2 semaphore(%run_scoped3A_503 : memref<!tpu.dma_semaphore, #tpu.memory_space<semaphore_mem>>) src(%dma_wait3A_527 : memref<128x128xf32, #tpu.memory_space<vmem>>) dst(%dma_wait3A_523 : memref<128x128xf32, #tpu.memory_space<hbm>>)
        tpu.yield
      }) : () -> ()
    }
    %scan3A_251 = arith.constant 64 : i32
    return
  }
}

</mosaic_0001>

<sc_bundles>
// kernel: kernel.3.cloned.1.call-start
scs
__scs_entry_jumppad:
0x0: {  	(pc) =	sbr.rel $0x88, $3  }
0x1: {  	(tag) =	ssettag $0x0;
	lr =	simm.s32 $0x1  }
0x2: {  	[smem:$0x3F9C] =	sst lr;
	_ =	strace $0xD0000000  }
0x3: {  	_ = 	snop  }
0x4: {  	_ = 	snop  }
0x5: {  	_ = 	snop  }
0x6: {  	_ = 	snop  }
0x7: {  	_ = 	snop  }
__scs_overlays_trampoline_lowered:
0x8: {  	[smem:$0x3FAB] =	sst s0  }
0x9: {  	[smem:$0x3FAC] =	sst s1  }
0xa: {  	[smem:$0x3FAD] =	sst s2  }
0xb: {  	[smem:$0x3FAE] =	sst s3  }
0xc: {  	[smem:$0x3FAF] =	sst s4  }
0xd: {  	[smem:$0x3FB0] =	sst s5  }
0xe: {  	[smem:$0x3FB1] =	sst s6  }
0xf: {  	[smem:$0x3FB2] =	sst s7  }
0x10: {  	[smem:$0x3FB3] =	sst s8  }
0x11: {  	[smem:$0x3FB4] =	sst s9;
	s0 =	simm.s32 @!p0 $0x0  }
0x12: {  	s1 =	sld [smem:$0x3F9A];
	s0 =	simm.s32 @p0 $0x1  }
0x13: {  	[smem:$0x3FB5] =	sst s0;
	s0 =	simm.s32 @!p1 $0x0  }
0x14: {  	s2 =	sld [smem:$0x3F99];
	s0 =	simm.s32 @p1 $0x1  }
0x15: {  	[smem:$0x3FB6] =	sst s0;
	s0 =	simm.s32 @!p2 $0x0  }
0x16: {  	s3 =	sld [smem:$0x3FDB];
	s0 =	simm.s32 @p2 $0x1  }
0x17: {  	s4 =	simm.s32 $0x1BF5;
	[smem:$0x3FB8] =	sst s0  }
0x18: {  	s0 =	sld [smem:$0x3F9B];
	_ =	swait.ge [sflag:s4], $0x0  }
0x19: {  	s7 =	sld [smem:$0x3F9C]  }
0x1a: {  	s8 =	sadd.s32 $0xFFFFE003, lr  }
0x1b: {  	s9 =	sadd.s32 $0xFFFFFEF7, lr;
	s5 =	simm.s32 $0xFFFFFFFF;
	p2 =	slt.u32 s8, $0xFFFFF086  }
0x1c: {  	p1 =	slt.u32 s9, $0xF7A;
	s5 =	simm.s32 @!p2 $0x0  }
0x1d: {  	s5 =	simm.s32 @p1 $0x1;
	p0 =	seq.s32 s7, s2  }
0x1e: {  	s7 =	smul.u32 @!p0 $0xF7A, s2;
	p2 =	seq.s32 @!p0 s5, $0x0  }
0x1f: {  	s9 =	smul.u32 $0xF7A, s1;
	s8 =	simm.s32 @!p0 $0x1BF5;
	p2 =	por !p2, p0  }
0x20: {  	[sflag:s8] =	ssyncset.s32 @!p0 $0xFFFFF086;
	s6 =	sadd.s32 @!p0 s3, s7;
	s7 =	simm.s32 @!p0 $0x108  }
0x21: {  	s3 =	sadd.s32 s3, s9;
	s6 =	sadd.s32 @!p0 $0x88, s6;
	s7 =	simm.s32 @p2 $0x1082  }
0x22: {  	[simem:s7], [sflag:s8] =	dma.local @!p0 [hbm:s6], $0xF7A  }
0x23: {  	s9 =	sor.u32 $0xD0000000, s2;
	s6 =	simm.s32 $0x108;
	_ =	swait.ge @!p0 [sflag:s8], $0x0  }
0x24: {  	s3 =	sadd.s32 $0x88, s3;
	s6 =	simm.s32 @!p1 $0x1082;
	[sflag:s4] =	ssyncset.s32 $0xFFFFF086  }
0x25: {  	[simem:s6], [sflag:s4] =	dma.local [hbm:s3], $0xF7A  }
0x26: {  	[smem:$0x3F9C] =	sst s1;
	(tag) =	ssettag s2;
	_ =	strace s9  }
0x27: {  	s1 =	sld [smem:$0x3FAC]  }
0x28: {  	s2 =	sld [smem:$0x3FAD]  }
0x29: {  	s4 =	sld [smem:$0x3FAF]  }
0x2a: {  	p0 =	seq.s32 s5, $0x0;
	s5 =	sld [smem:$0x3FB0]  }
0x2b: {  	s6 =	sld [smem:$0x3FB1]  }
0x2c: {  	s7 =	sld [smem:$0x3FB2]  }
0x2d: {  	s3 =	simm.s32 $0x108;
	s8 =	sld [smem:$0x3FB3]  }
0x2e: {  	s3 =	simm.s32 @!p0 $0x1082;
	s9 =	sld [smem:$0x3FB4]  }
0x2f: {  	lr =	sadd.s32 s0, s3;
	s0 =	sld [smem:$0x3FAB]  }
0x30: {  	s3 =	sld [smem:$0x3FAE]  }
0x31: {  	[smem:$0x3FB7] =	sst s10  }
0x32: {  	s10 =	sld [smem:$0x3FB5];
	_ =	sdelay $0x3  }
0x33: {  	p0 =	seq.s32 s10, $0x1;
	s10 =	sld [smem:$0x3FB7];
	_ =	sdelay $0x3  }
0x34: {  	[smem:$0x3FB7] =	sst s10  }
0x35: {  	s10 =	sld [smem:$0x3FB6];
	_ =	sdelay $0x3  }
0x36: {  	p1 =	seq.s32 s10, $0x1;
	s10 =	sld [smem:$0x3FB7];
	_ =	sdelay $0x3  }
0x37: {  	[smem:$0x3FB7] =	sst s10  }
0x38: {  	s10 =	sld [smem:$0x3FB8]  }
0x39: {  	_ = 	snop;
	(pc) =	sbr.ind lr, $3  }
0x3a: {  	_ = 	snop  }
0x3b: {  	_ = 	snop  }
0x3c: {  	p2 =	seq.s32 s10, $0x1;
	s10 =	sld [smem:$0x3FB7]  }
0x3d: {  	_ =	shalt  }
0x3e: {  	_ =	shalt  }
0x3f: {  	_ =	shalt  }
0x40: {  	_ =	shalt  }
0x41: {  	_ =	shalt  }
0x42: {  	_ =	shalt  }
0x43: {  	_ =	shalt  }
0x44: {  	_ =	shalt  }
0x45: {  	_ =	shalt  }
0x46: {  	_ =	shalt  }
0x47: {  	_ =	shalt  }
0x48: {  	_ =	shalt  }
0x49: {  	_ =	shalt  }
0x4a: {  	_ =	shalt  }
0x4b: {  	_ =	shalt  }
0x4c: {  	_ =	shalt  }
0x4d: {  	_ =	shalt  }
0x4e: {  	_ =	shalt  }
0x4f: {  	_ =	shalt  }
0x50: {  	_ =	shalt  }
0x51: {  	_ =	shalt  }
0x52: {  	_ =	shalt  }
0x53: {  	_ =	shalt  }
0x54: {  	_ =	shalt  }
0x55: {  	_ =	shalt  }
0x56: {  	_ =	shalt  }
0x57: {  	_ =	shalt  }
0x58: {  	_ =	shalt  }
0x59: {  	_ =	shalt  }
0x5a: {  	_ =	shalt  }
0x5b: {  	_ =	shalt  }
0x5c: {  	_ =	shalt  }
0x5d: {  	_ =	shalt  }
0x5e: {  	_ =	shalt  }
0x5f: {  	_ =	shalt  }
0x60: {  	_ =	shalt  }
0x61: {  	_ =	shalt  }
0x62: {  	_ =	shalt  }
0x63: {  	_ =	shalt  }
0x64: {  	_ =	shalt  }
0x65: {  	_ =	shalt  }
0x66: {  	_ =	shalt  }
0x67: {  	_ =	shalt  }
0x68: {  	_ =	shalt  }
0x69: {  	_ =	shalt  }
0x6a: {  	_ =	shalt  }
0x6b: {  	_ =	shalt  }
0x6c: {  	_ =	shalt  }
0x6d: {  	_ =	shalt  }
0x6e: {  	_ =	shalt  }
0x6f: {  	_ =	shalt  }
0x70: {  	_ =	shalt  }
0x71: {  	_ =	shalt  }
0x72: {  	_ =	shalt  }
0x73: {  	_ =	shalt  }
0x74: {  	_ =	shalt  }
0x75: {  	_ =	shalt  }
0x76: {  	_ =	shalt  }
0x77: {  	_ =	shalt  }
0x78: {  	_ =	shalt  }
0x79: {  	_ =	shalt  }
0x7a: {  	_ =	shalt  }
0x7b: {  	_ =	shalt  }
0x7c: {  	_ =	shalt  }
0x7d: {  	_ =	shalt  }
0x7e: {  	_ =	shalt  }
0x7f: {  	_ =	shalt  }
0x80: {  	_ =	shalt  }
0x81: {  	_ =	shalt  }
0x82: {  	_ =	shalt  }
0x83: {  	_ =	shalt  }
0x84: {  	_ =	shalt  }
0x85: {  	_ =	shalt  }
0x86: {  	_ =	shalt  }
0x87: {  	_ =	shalt  }
.Lfunc_end0:
.L_simem_size_0:
called_computation_lowered:
.L_overlay_start_0:
0x88: {  	s2 =	sld [smem:$0x3FD9]  }
0x89: {  	s3 =	sld [smem:$0x3FFE];
	_ =	sdelay $0x1  }
0x8a: {  	s1 =	srdreg.scid  }
0x8b: {  	s0 =	sand.u32 $0x1, s1  }
0x8c: {  	s14 =	sshll.u32 s0, $0xA;
	s2 =	sadd.s32 s3, s2  }
0x8d: {  	s2 =	sadd.s32 s2, s14  }
0x8e: {  	[smem:$0x3FC3] =	sst s2  }
0x8f: {  	_ = 	snop  }
0x90: {  	s2 =	sld [smem:$0x3FC9]  }
0x91: {  	s15 =	sld [smem:$0x3FD0]  }
0x92: {  	s4 =	sld [smem:$0x3FC8]  }
0x93: {  	s5 =	sld [smem:$0x3FC6]  }
0x94: {  	s7 =	simm.s32 $0xA;
	s8 =	simm.s32 $0x10;
	s6 =	sld [smem:$0x3FC5]  }
0x95: {  	[smem:s8], [sflag:s7] =	dma.local [hbm:s15], $0x1  }
0x96: {  	_ =	swait.eq [sflag:s7], $0x1  }
0x97: {  	s16 =	sld [smem:$0x10];
	[sflag:s7] =	ssyncset.done $0x0  }
0x98: {  	s17 =	sld [smem:$0x11];
	[sflag:s7] =	ssyncadd.s32 $0xFFFFFFFF  }
0x99: {  	s18 =	sld [smem:$0x12];
	(tm) =	ssettm $0x1  }
0x9a: {  	s9 =	sld [smem:$0x3FFB];
	_ =	sdelay $0x3  }
0x9b: {  	_ =	strace s9  }
0x9c: {  	s9 =	sld [smem:$0x3FFC];
	_ =	sdelay $0x3  }
0x9d: {  	_ =	strace s9  }
0x9e: {  	s9 =	sld [smem:$0x3FFD];
	_ =	sdelay $0x3  }
0x9f: {  	_ =	strace s9  }
0xa0: {  	_ =	strace $0x8FFFFFFF  }
0xa1: {  	s19 =	sld [smem:$0x3FDB];
	_ =	sdelay $0x1  }
0xa2: {  	s10 =	simm.s32 $_scs_section_size  }
0xa3: {  	s11 =	simm.s32 $_size__tile_overlayer_lowered;
	s12 =	simm.s32 $_tile_overlayer_lowered  }
0xa4: {  	s22 =	simm.s32 $0x1BFF;
	s21 =	sshll.u32 s12, $0x1;
	s9 =	sadd.s32 s10, s19  }
0xa5: {  	s13 =	simm.s32 $0x0;
	s20 =	sshll.u32 s11, $0x1;
	s11 =	sadd.s32 s21, s9  }
0xa6: {  	[timem:s13], [sflag:s22] =	dma.local [hbm:s11], s20  }
0xa7: {  	_ =	swait.ge [sflag:s22], s20  }
0xa8: {  	s10 =	ssub.s32 $0x0, s20;
	[sflag:s22] =	ssyncset.done $0x0  }
0xa9: {  	[sflag:s22] =	ssyncadd.s32 s10;
	_ =	sdelay $0x1  }
0xaa: {  	s23 =	simm.s32 $0x1B8B  }
0xab: {  	_ =	swait.ge [sflag:s23], $0x1  }
0xac: {  	[sflag:s23] =	ssyncset.done $0x0  }
0xad: {  	s25 =	simm.s32 $0x1B8E;
	s24 =	sld [smem:$0x3FFE];
	[sflag:s23] =	ssyncadd.s32 $0xFFFFFFFF  }
0xae: {  	s26 =	simm.s32 $execute0_lowered;
	[smem:$0x3FD2] =	sst s25  }
0xaf: {  	s11 =	sshll.u32 s26, $0x1;
	_ =	strace $0x80000046;
	[dreg:$0x1] =	wrdreg $0xFFFFFFFF  }
0xb0: {  	s28 =	simm.s32 $_size_execute0_lowered;
	s9 =	sadd.s32 s9, s11;
	[dreg:$0x0] =	wrdreg $0x0  }
0xb1: {  	s11 =	sshll.u32 s28, $0x1;
	[dreg:$0x2] =	wrdreg s9  }
0xb2: {  	[dreg:$0x3] =	wrdreg s11  }
0xb3: {  	[dreg:$0x4] =	wrdreg $0xC0  }
0xb4: {  	_ =	task [dreg:s13], $0x5FFFF  }
0xb5: {  	[dreg:$0x1] =	wrdreg $0xFFFFFFFF  }
0xb6: {  	[dreg:$0x0] =	wrdreg $0x60  }
0xb7: {  	[dreg:$0x2] =	wrdreg s2  }
0xb8: {  	[dreg:$0x3] =	wrdreg s4  }
0xb9: {  	[dreg:$0x4] =	wrdreg s24  }
0xba: {  	[dreg:$0x5] =	wrdreg s5  }
0xbb: {  	[dreg:$0x6] =	wrdreg s6  }
0xbc: {  	[dreg:$0x7] =	wrdreg s16  }
0xbd: {  	[dreg:$0x8] =	wrdreg s17  }
0xbe: {  	[dreg:$0x9] =	wrdreg s18  }
0xbf: {  	[dreg:$0xa] =	wrdreg $0x9  }
0xc0: {  	_ =	task.clear_ibuf [dreg:s13], $0xBFFFF;
	_ =	strace $0x90000046  }
0xc1: {  	s29 =	simm.s32 $0x9;
	_ =	strace $0x80000048  }
0xc2: {  	_ =	swait.ge [sflag:s29], $0x1  }
0xc3: {  	[sflag:s29] =	ssyncadd.s32 $0xFFFFFFFF  }
0xc4: {  	_ =	strace $0x90000048  }
0xc5: {  	_ =	sfence  }
0xc6: {  	s30 =	sld [smem:$0x0];
	_ =	sdelay $0x2  }
0xc7: {  	s31 =	sshll.u32 s1, $0xD;
	s1 =	sshrl.u32 s1, $0x2  }
0xc8: {  	s3 =	sand.u32 $0x4000, s31;
	s1 =	sadd.s32 s1, s30  }
0xc9: {  	s0 =	sor.u32 s3, s0;
	s1 =	sshll.u32 s1, $0x11  }
0xca: {  	s0 =	sor.u32 s1, s0  }
0xcb: {  	s0 =	sadd.s32 $0x8F2B, s0  }
0xcc: {  	[sflag:s0] =	ssyncadd.remote.s32 $0x1  }
0xcd: {  	_ =	sfence.sel $0xFFFF  }
0xce: {  	[dreg:$0x0] =	wrdreg $0xFFFFFFFF;
	(pc) =	sbr.abs _section_cstart, $3  }
0xcf: {  	[dreg:$0x1] =	wrdreg $0xFFFFFFFF  }
0xd0: {  	_ =	task.clear_ibuf [dreg:s13], $0x2FFFF;
	_ =	strace $0x9FFFFFFF  }
0xd1: {  	(tm) =	ssettm $0x7FFFFFFF  }
tec
execute0_lowered:
.L_overlay_start_1:
0x0: {  	(tag) =	ssettag $0x1  }
0x1: {  	s0 =	rddreg [dreg:$0x0]  }
0x2: {  	s3 =	rddreg [dreg:$0x1]  }
0x3: {  	s5 =	rddreg [dreg:$0x2]  }
0x4: {  	s1 =	rddreg [dreg:$0x3]  }
0x5: {  	s2 =	rddreg [dreg:$0x4]  }
0x6: {  	s11 =	rddreg [dreg:$0x5]  }
0x7: {  	s15 =	rddreg [dreg:$0x6]  }
0x8: {  	s13 =	rddreg [dreg:$0x7];
	s6 =	srdreg.scid  }
0x9: {  	s12 =	stileid.u32;
	s4 =	simm.s32 $0x0;
	s28 =	simm.s32 $0x14400  }
0xa: {  	s29 =	simm.s32 $0x1;
	s31 =	simm.s32 $0x300;
	s14 =	sand.u32 $0x1, s6  }
0xb: {  	s21 =	sshll.u32 s12, $0x1;
	[smem:$0x7FF] =	sst s4;
	s19 =	sshll.u32 s12, $0x14  }
0xc: {  	s7 =	sor.u32 s14, s21;
	s22 =	ssub.s32 $0x2, s14;
	_ =	strace $0x80000047  }
0xd: {  	s26 =	sadd.s32 s19, s13;
	s30 =	sshll.u32 s14, $0x13;
	s19 =	simm.s32 $0x200  }
0xe: {  	s21 =	simm.s32 $0x80;
	s8 =	sshll.u32 s7, $0xC;
	s9 =	sshrl.u32 s22, $0x1  }
0xf: {  	s23 =	sshll.u32 s7, $0x6;
	s24 =	sshll.u32 s7, $0xD;
	s8 =	sadd.s32 s8, s5  }
0x10: {  	s16 =	ssub.s32 s22, s9;
	s5 =	sadd.s32 s0, s23;
	s6 =	sadd.s32 s3, s23  }
0x11: {  	s25 =	sor.u32 $0x800, s24;
	s17 =	sor.u32 $0x1000, s24;
	s18 =	sor.u32 $0x1800, s24  }
0x12: {  	s12 =	sadd.s32 s15, s24;
	s0 =	sadd.s32 s30, s26;
	s22 =	simm.s32 $0x8400  }
0x13: {  	s23 =	simm.s32 $0xC400;
	s3 =	simm.s32 $0x0;
	s7 =	sadd.s32 $0x800, s8  }
0x14: {  	s8 =	sadd.s32 s11, s24;
	s9 =	sadd.s32 s11, s25;
	s10 =	sadd.s32 s11, s17  }
0x15: {  	s11 =	sadd.s32 s11, s18;
	s13 =	sadd.s32 s15, s25;
	s14 =	sadd.s32 s15, s17  }
0x16: {  	s15 =	sadd.s32 s15, s18;
	s16 =	smax.u32 s16, $0x1;
	s17 =	sadd.s32 $0x2000, s0  }
0x17: {  	s18 =	simm.s32 $0x2;
	s25 =	simm.s32 $0x10400;
	s0 =	simm.s32 $0x380  }
.LBB2_1:
0x18: {  	[tilespmem:s4], [sflag:$0x2] =	stream.linear.gather [hbm4b:s5+s4], $0x200, $0x38;
	[tilespmem:$0x18400] =	vst v63  }
0x19: {  	_ =	swait.ge [sflag:s18], $0x200  }
0x1a: {  	[sflag:s18] =	ssyncset.done $0x0  }
0x1b: {  	[sflag:s18] =	ssyncadd.s32 $0xFFFFFE00  }
0x1c: {  	[tilespmem:s19], [sflag:$0x2] =	stream.linear.gather [hbm4b:s6+s4], $0x200, $0x38;
	[tilespmem:$0x18400] =	vst v63  }
0x1d: {  	_ =	swait.ge [sflag:s18], $0x200  }
0x1e: {  	[sflag:s18] =	ssyncset.done $0x0  }
0x1f: {  	s20 =	simm.s32 $0x400;
	[sflag:s18] =	ssyncadd.s32 $0xFFFFFE00  }
0x20: {  	[tilespmem:s20], [sflag:$0x2] =	stream.linear.gather [hbm4b:s7+s4], $0x8000, $0x38;
	[tilespmem:$0x18400] =	vst v63  }
0x21: {  	_ =	swait.ge [sflag:s18], $0x8000  }
0x22: {  	[sflag:s18] =	ssyncset.done $0x0  }
0x23: {  	[sflag:s18] =	ssyncadd.s32 $0xFFFF8000  }
0x24: {  	[tilespmem:s22], [sflag:$0x1] =	stream.indirect.gather [hbm4b:s1+s21], $0x80, s4, s21, $0xb8;
	[tilespmem:$0x18400] =	vst v63  }
0x25: {  	_ = 	snop  }
0x26: {  	[tilespmem:s23], [sflag:$0x1] =	stream.indirect.gather [hbm4b:s1+s21], $0x80, s21, s21, $0xb8;
	[tilespmem:$0x18400] =	vst v63  }
0x27: {  	s24 =	simm.s32 $0x100  }
0x28: {  	[tilespmem:s25], [sflag:$0x1] =	stream.indirect.gather [hbm4b:s1+s21], $0x80, s24, s21, $0xb8;
	[tilespmem:$0x18400] =	vst v63  }
0x29: {  	s26 =	simm.s32 $0x180  }
0x2a: {  	[tilespmem:s28], [sflag:$0x1] =	stream.indirect.gather [hbm4b:s1+s21], $0x80, s26, s21, $0xb8;
	[tilespmem:$0x18400] =	vst v63  }
0x2b: {  	_ =	swait.ge [sflag:s29], $0x4000  }
0x2c: {  	[sflag:s29] =	ssyncset.done $0x0  }
0x2d: {  	[sflag:s29] =	ssyncadd.s32 $0xFFFFC000  }
0x2e: {  	[hbm4b:s8+s4] =	stream.linear.scatter [tilespmem:s22], [sflag:$0x2], $0x4000, $0x38;
	[tilespmem:$0x18400] =	vst v63  }
0x2f: {  	_ =	swait.ge [sflag:s18], $0x4000  }
0x30: {  	[sflag:s18] =	ssyncset.done $0x0  }
0x31: {  	[sflag:s18] =	ssyncadd.s32 $0xFFFFC000  }
0x32: {  	_ =	swait.ge [sflag:s29], $0x4000  }
0x33: {  	[sflag:s29] =	ssyncset.done $0x0  }
0x34: {  	[sflag:s29] =	ssyncadd.s32 $0xFFFFC000  }
0x35: {  	[hbm4b:s9+s4] =	stream.linear.scatter [tilespmem:s23], [sflag:$0x2], $0x4000, $0x38;
	[tilespmem:$0x18400] =	vst v63  }
0x36: {  	_ =	swait.ge [sflag:s18], $0x4000  }
0x37: {  	[sflag:s18] =	ssyncset.done $0x0  }
0x38: {  	[sflag:s18] =	ssyncadd.s32 $0xFFFFC000  }
0x39: {  	_ =	swait.ge [sflag:s29], $0x4000  }
0x3a: {  	[sflag:s29] =	ssyncset.done $0x0  }
0x3b: {  	[sflag:s29] =	ssyncadd.s32 $0xFFFFC000  }
0x3c: {  	[hbm4b:s10+s4] =	stream.linear.scatter [tilespmem:s25], [sflag:$0x2], $0x4000, $0x38;
	[tilespmem:$0x18400] =	vst v63  }
0x3d: {  	_ =	swait.ge [sflag:s18], $0x4000  }
0x3e: {  	[sflag:s18] =	ssyncset.done $0x0  }
0x3f: {  	[sflag:s18] =	ssyncadd.s32 $0xFFFFC000  }
0x40: {  	_ =	swait.ge [sflag:s29], $0x4000  }
0x41: {  	[sflag:s29] =	ssyncset.done $0x0  }
0x42: {  	[sflag:s29] =	ssyncadd.s32 $0xFFFFC000  }
0x43: {  	[hbm4b:s11+s4] =	stream.linear.scatter [tilespmem:s28], [sflag:$0x2], $0x4000, $0x38;
	[tilespmem:$0x18400] =	vst v63  }
0x44: {  	_ =	swait.ge [sflag:s18], $0x4000  }
0x45: {  	[sflag:s18] =	ssyncset.done $0x0  }
0x46: {  	[sflag:s18] =	ssyncadd.s32 $0xFFFFC000  }
0x47: {  	[tilespmem:s22], [sflag:$0x1] =	stream.indirect.gather [hbm4b:s2+s21], $0x80, s19, s21, $0xb8;
	[tilespmem:$0x18400] =	vst v63  }
0x48: {  	s30 =	simm.s32 $0x280  }
0x49: {  	[tilespmem:s23], [sflag:$0x1] =	stream.indirect.gather [hbm4b:s2+s21], $0x80, s30, s21, $0xb8;
	[tilespmem:$0x18400] =	vst v63  }
0x4a: {  	_ = 	snop  }
0x4b: {  	[tilespmem:s25], [sflag:$0x1] =	stream.indirect.gather [hbm4b:s2+s21], $0x80, s31, s21, $0xb8;
	[tilespmem:$0x18400] =	vst v63  }
0x4c: {  	_ = 	snop  }
0x4d: {  	[tilespmem:s28], [sflag:$0x1] =	stream.indirect.gather [hbm4b:s2+s21], $0x80, s0, s21, $0xb8;
	[tilespmem:$0x18400] =	vst v63  }
0x4e: {  	_ =	swait.ge [sflag:s29], $0x4000  }
0x4f: {  	[sflag:s29] =	ssyncset.done $0x0  }
0x50: {  	[sflag:s29] =	ssyncadd.s32 $0xFFFFC000  }
0x51: {  	[hbm4b:s12+s4] =	stream.linear.scatter [tilespmem:s22], [sflag:$0x2], $0x4000, $0x38;
	[tilespmem:$0x18400] =	vst v63  }
0x52: {  	_ =	swait.ge [sflag:s18], $0x4000  }
0x53: {  	[sflag:s18] =	ssyncset.done $0x0  }
0x54: {  	[sflag:s18] =	ssyncadd.s32 $0xFFFFC000  }
0x55: {  	_ =	swait.ge [sflag:s29], $0x4000  }
0x56: {  	[sflag:s29] =	ssyncset.done $0x0  }
0x57: {  	[sflag:s29] =	ssyncadd.s32 $0xFFFFC000  }
0x58: {  	[hbm4b:s13+s4] =	stream.linear.scatter [tilespmem:s23], [sflag:$0x2], $0x4000, $0x38;
	[tilespmem:$0x18400] =	vst v63  }
0x59: {  	_ =	swait.ge [sflag:s18], $0x4000  }
0x5a: {  	[sflag:s18] =	ssyncset.done $0x0  }
0x5b: {  	[sflag:s18] =	ssyncadd.s32 $0xFFFFC000  }
0x5c: {  	_ =	swait.ge [sflag:s29], $0x4000  }
0x5d: {  	[sflag:s29] =	ssyncset.done $0x0  }
0x5e: {  	[sflag:s29] =	ssyncadd.s32 $0xFFFFC000  }
0x5f: {  	[hbm4b:s14+s4] =	stream.linear.scatter [tilespmem:s25], [sflag:$0x2], $0x4000, $0x38;
	[tilespmem:$0x18400] =	vst v63  }
0x60: {  	_ =	swait.ge [sflag:s18], $0x4000  }
0x61: {  	[sflag:s18] =	ssyncset.done $0x0  }
0x62: {  	[sflag:s18] =	ssyncadd.s32 $0xFFFFC000  }
0x63: {  	_ =	swait.ge [sflag:s29], $0x4000  }
0x64: {  	[sflag:s29] =	ssyncset.done $0x0  }
0x65: {  	[sflag:s29] =	ssyncadd.s32 $0xFFFFC000  }
0x66: {  	[hbm4b:s15+s4] =	stream.linear.scatter [tilespmem:s28], [sflag:$0x2], $0x4000, $0x38;
	[tilespmem:$0x18400] =	vst v63  }
0x67: {  	_ =	swait.ge [sflag:s18], $0x4000  }
0x68: {  	[sflag:s18] =	ssyncset.done $0x0  }
0x69: {  	s24 =	simm.s32 $0x400;
	[sflag:s18] =	ssyncadd.s32 $0xFFFFC000  }
0x6a: {  	[tilespmem:s22], [sflag:$0x1] =	stream.indirect.gather [hbm4b:s2+s21], $0x80, s24, s21, $0xb8;
	[tilespmem:$0x18400] =	vst v63  }
0x6b: {  	s26 =	simm.s32 $0x480  }
0x6c: {  	[tilespmem:s23], [sflag:$0x1] =	stream.indirect.gather [hbm4b:s2+s21], $0x80, s26, s21, $0xb8;
	[tilespmem:$0x18400] =	vst v63  }
0x6d: {  	s30 =	simm.s32 $0x500  }
0x6e: {  	[tilespmem:s25], [sflag:$0x1] =	stream.indirect.gather [hbm4b:s2+s21], $0x80, s30, s21, $0xb8;
	[tilespmem:$0x18400] =	vst v63  }
0x6f: {  	s24 =	simm.s32 $0x580  }
0x70: {  	[tilespmem:s28], [sflag:$0x1] =	stream.indirect.gather [hbm4b:s2+s21], $0x80, s24, s21, $0xb8;
	[tilespmem:$0x18400] =	vst v63  }
0x71: {  	_ =	swait.ge [sflag:s29], $0x4000  }
0x72: {  	[sflag:s29] =	ssyncset.done $0x0  }
0x73: {  	s26 =	sadd.s32 $0xFFFFE000, s17;
	[sflag:s29] =	ssyncadd.s32 $0xFFFFC000  }
0x74: {  	[hbm4b:s26+s4] =	stream.linear.scatter [tilespmem:s22], [sflag:$0x2], $0x4000, $0x38;
	[tilespmem:$0x18400] =	vst v63  }
0x75: {  	_ =	swait.ge [sflag:s18], $0x4000  }
0x76: {  	[sflag:s18] =	ssyncset.done $0x0  }
0x77: {  	[sflag:s18] =	ssyncadd.s32 $0xFFFFC000  }
0x78: {  	_ =	swait.ge [sflag:s29], $0x4000  }
0x79: {  	[sflag:s29] =	ssyncset.done $0x0  }
0x7a: {  	s30 =	sadd.s32 $0xFFFFE800, s17;
	[sflag:s29] =	ssyncadd.s32 $0xFFFFC000  }
0x7b: {  	[hbm4b:s30+s4] =	stream.linear.scatter [tilespmem:s23], [sflag:$0x2], $0x4000, $0x38;
	[tilespmem:$0x18400] =	vst v63  }
0x7c: {  	_ =	swait.ge [sflag:s18], $0x4000  }
0x7d: {  	[sflag:s18] =	ssyncset.done $0x0  }
0x7e: {  	[sflag:s18] =	ssyncadd.s32 $0xFFFFC000  }
0x7f: {  	_ =	swait.ge [sflag:s29], $0x4000  }
0x80: {  	[sflag:s29] =	ssyncset.done $0x0  }
0x81: {  	s24 =	sadd.s32 $0xFFFFF000, s17;
	[sflag:s29] =	ssyncadd.s32 $0xFFFFC000  }
0x82: {  	[hbm4b:s24+s4] =	stream.linear.scatter [tilespmem:s25], [sflag:$0x2], $0x4000, $0x38;
	[tilespmem:$0x18400] =	vst v63  }
0x83: {  	_ =	swait.ge [sflag:s18], $0x4000  }
0x84: {  	[sflag:s18] =	ssyncset.done $0x0  }
0x85: {  	[sflag:s18] =	ssyncadd.s32 $0xFFFFC000  }
0x86: {  	_ =	swait.ge [sflag:s29], $0x4000  }
0x87: {  	[sflag:s29] =	ssyncset.done $0x0  }
0x88: {  	s26 =	sadd.s32 $0xFFFFF800, s17;
	[sflag:s29] =	ssyncadd.s32 $0xFFFFC000  }
0x89: {  	[hbm4b:s26+s4] =	stream.linear.scatter [tilespmem:s28], [sflag:$0x2], $0x4000, $0x38;
	[tilespmem:$0x18400] =	vst v63  }
0x8a: {  	_ =	swait.ge [sflag:s18], $0x4000  }
0x8b: {  	[sflag:s18] =	ssyncset.done $0x0  }
0x8c: {  	s30 =	simm.s32 $0x600;
	[sflag:s18] =	ssyncadd.s32 $0xFFFFC000  }
0x8d: {  	[tilespmem:s22], [sflag:$0x1] =	stream.indirect.gather [hbm4b:s2+s21], $0x80, s30, s21, $0xb8;
	[tilespmem:$0x18400] =	vst v63  }
0x8e: {  	s24 =	simm.s32 $0x680  }
0x8f: {  	[tilespmem:s23], [sflag:$0x1] =	stream.indirect.gather [hbm4b:s2+s21], $0x80, s24, s21, $0xb8;
	[tilespmem:$0x18400] =	vst v63  }
0x90: {  	s26 =	simm.s32 $0x700  }
0x91: {  	[tilespmem:s25], [sflag:$0x1] =	stream.indirect.gather [hbm4b:s2+s21], $0x80, s26, s21, $0xb8;
	[tilespmem:$0x18400] =	vst v63  }
0x92: {  	s30 =	simm.s32 $0x780  }
0x93: {  	[tilespmem:s28], [sflag:$0x1] =	stream.indirect.gather [hbm4b:s2+s21], $0x80, s30, s21, $0xb8;
	[tilespmem:$0x18400] =	vst v63  }
0x94: {  	_ =	swait.ge [sflag:s29], $0x4000  }
0x95: {  	[sflag:s29] =	ssyncset.done $0x0  }
0x96: {  	[sflag:s29] =	ssyncadd.s32 $0xFFFFC000  }
0x97: {  	[hbm4b:s17+s4] =	stream.linear.scatter [tilespmem:s22], [sflag:$0x2], $0x4000, $0x38;
	[tilespmem:$0x18400] =	vst v63  }
0x98: {  	_ =	swait.ge [sflag:s18], $0x4000  }
0x99: {  	[sflag:s18] =	ssyncset.done $0x0  }
0x9a: {  	[sflag:s18] =	ssyncadd.s32 $0xFFFFC000  }
0x9b: {  	_ =	swait.ge [sflag:s29], $0x4000  }
0x9c: {  	[sflag:s29] =	ssyncset.done $0x0  }
0x9d: {  	s24 =	sadd.s32 $0x800, s17;
	[sflag:s29] =	ssyncadd.s32 $0xFFFFC000  }
0x9e: {  	[hbm4b:s24+s4] =	stream.linear.scatter [tilespmem:s23], [sflag:$0x2], $0x4000, $0x38;
	[tilespmem:$0x18400] =	vst v63  }
0x9f: {  	_ =	swait.ge [sflag:s18], $0x4000  }
0xa0: {  	[sflag:s18] =	ssyncset.done $0x0  }
0xa1: {  	[sflag:s18] =	ssyncadd.s32 $0xFFFFC000  }
0xa2: {  	_ =	swait.ge [sflag:s29], $0x4000  }
0xa3: {  	[sflag:s29] =	ssyncset.done $0x0  }
0xa4: {  	s26 =	sadd.s32 $0x1000, s17;
	[sflag:s29] =	ssyncadd.s32 $0xFFFFC000  }
0xa5: {  	[hbm4b:s26+s4] =	stream.linear.scatter [tilespmem:s25], [sflag:$0x2], $0x4000, $0x38;
	[tilespmem:$0x18400] =	vst v63  }
0xa6: {  	_ =	swait.ge [sflag:s18], $0x4000  }
0xa7: {  	[sflag:s18] =	ssyncset.done $0x0  }
0xa8: {  	[sflag:s18] =	ssyncadd.s32 $0xFFFFC000  }
0xa9: {  	_ =	swait.ge [sflag:s29], $0x4000  }
0xaa: {  	[sflag:s29] =	ssyncset.done $0x0  }
0xab: {  	s30 =	sadd.s32 $0x1800, s17;
	[sflag:s29] =	ssyncadd.s32 $0xFFFFC000  }
0xac: {  	[hbm4b:s30+s4] =	stream.linear.scatter [tilespmem:s28], [sflag:$0x2], $0x4000, $0x38;
	[tilespmem:$0x18400] =	vst v63  }
0xad: {  	s20 =	sadd.s32 $0x4000, s17;
	_ =	swait.ge [sflag:s18], $0x4000  }
0xae: {  	s24 =	simm.s32 $0xA00;
	s26 =	simm.s32 $0x2;
	[sflag:s18] =	ssyncset.done $0x0  }
.LBB2_2:
0xaf: {  	s26 =	sadd.s32 $0x2, s26;
	s30 =	sadd.s32 $0xFFFFFE00, s24;
	[sflag:s18] =	ssyncadd.s32 $0xFFFFC000  }
0xb0: {  	[tilespmem:s22], [sflag:$0x1] =	stream.indirect.gather [hbm4b:s2+s21], $0x80, s30, s21, $0xb8;
	[tilespmem:$0x18400] =	vst v63  }
0xb1: {  	p0 =	slt.u32 s26, $0x3E;
	s30 =	sadd.s32 $0xFFFFFE80, s24  }
0xb2: {  	[tilespmem:s23], [sflag:$0x1] =	stream.indirect.gather [hbm4b:s2+s21], $0x80, s30, s21, $0xb8;
	[tilespmem:$0x18400] =	vst v63  }
0xb3: {  	s30 =	sadd.s32 $0xFFFFFF00, s24  }
0xb4: {  	[tilespmem:s25], [sflag:$0x1] =	stream.indirect.gather [hbm4b:s2+s21], $0x80, s30, s21, $0xb8;
	[tilespmem:$0x18400] =	vst v63  }
0xb5: {  	s30 =	sadd.s32 $0xFFFFFF80, s24  }
0xb6: {  	[tilespmem:s28], [sflag:$0x1] =	stream.indirect.gather [hbm4b:s2+s21], $0x80, s30, s21, $0xb8;
	[tilespmem:$0x18400] =	vst v63  }
0xb7: {  	_ =	swait.ge [sflag:s29], $0x4000  }
0xb8: {  	[sflag:s29] =	ssyncset.done $0x0  }
0xb9: {  	s30 =	sadd.s32 $0xFFFFE000, s20;
	[sflag:s29] =	ssyncadd.s32 $0xFFFFC000  }
0xba: {  	[hbm4b:s30+s4] =	stream.linear.scatter [tilespmem:s22], [sflag:$0x2], $0x4000, $0x38;
	[tilespmem:$0x18400] =	vst v63  }
0xbb: {  	_ =	swait.ge [sflag:s18], $0x4000  }
0xbc: {  	[sflag:s18] =	ssyncset.done $0x0  }
0xbd: {  	[sflag:s18] =	ssyncadd.s32 $0xFFFFC000  }
0xbe: {  	_ =	swait.ge [sflag:s29], $0x4000  }
0xbf: {  	[sflag:s29] =	ssyncset.done $0x0  }
0xc0: {  	s30 =	sadd.s32 $0xFFFFE800, s20;
	[sflag:s29] =	ssyncadd.s32 $0xFFFFC000  }
0xc1: {  	[hbm4b:s30+s4] =	stream.linear.scatter [tilespmem:s23], [sflag:$0x2], $0x4000, $0x38;
	[tilespmem:$0x18400] =	vst v63  }
0xc2: {  	_ =	swait.ge [sflag:s18], $0x4000  }
0xc3: {  	[sflag:s18] =	ssyncset.done $0x0  }
0xc4: {  	[sflag:s18] =	ssyncadd.s32 $0xFFFFC000  }
0xc5: {  	_ =	swait.ge [sflag:s29], $0x4000  }
0xc6: {  	[sflag:s29] =	ssyncset.done $0x0  }
0xc7: {  	s30 =	sadd.s32 $0xFFFFF000, s20;
	[sflag:s29] =	ssyncadd.s32 $0xFFFFC000  }
0xc8: {  	[hbm4b:s30+s4] =	stream.linear.scatter [tilespmem:s25], [sflag:$0x2], $0x4000, $0x38;
	[tilespmem:$0x18400] =	vst v63  }
0xc9: {  	_ =	swait.ge [sflag:s18], $0x4000  }
0xca: {  	[sflag:s18] =	ssyncset.done $0x0  }
0xcb: {  	[sflag:s18] =	ssyncadd.s32 $0xFFFFC000  }
0xcc: {  	_ =	swait.ge [sflag:s29], $0x4000  }
0xcd: {  	[sflag:s29] =	ssyncset.done $0x0  }
0xce: {  	s30 =	sadd.s32 $0xFFFFF800, s20;
	[sflag:s29] =	ssyncadd.s32 $0xFFFFC000  }
0xcf: {  	[hbm4b:s30+s4] =	stream.linear.scatter [tilespmem:s28], [sflag:$0x2], $0x4000, $0x38;
	[tilespmem:$0x18400] =	vst v63  }
0xd0: {  	_ =	swait.ge [sflag:s18], $0x4000  }
0xd1: {  	[sflag:s18] =	ssyncset.done $0x0  }
0xd2: {  	[sflag:s18] =	ssyncadd.s32 $0xFFFFC000  }
0xd3: {  	[tilespmem:s22], [sflag:$0x1] =	stream.indirect.gather [hbm4b:s2+s21], $0x80, s24, s21, $0xb8;
	[tilespmem:$0x18400] =	vst v63  }
0xd4: {  	s30 =	sadd.s32 $0x80, s24  }
0xd5: {  	[tilespmem:s23], [sflag:$0x1] =	stream.indirect.gather [hbm4b:s2+s21], $0x80, s30, s21, $0xb8;
	[tilespmem:$0x18400] =	vst v63  }
0xd6: {  	s30 =	sadd.s32 $0x100, s24  }
0xd7: {  	[tilespmem:s25], [sflag:$0x1] =	stream.indirect.gather [hbm4b:s2+s21], $0x80, s30, s21, $0xb8;
	[tilespmem:$0x18400] =	vst v63  }
0xd8: {  	s30 =	sadd.s32 $0x180, s24  }
0xd9: {  	[tilespmem:s28], [sflag:$0x1] =	stream.indirect.gather [hbm4b:s2+s21], $0x80, s30, s21, $0xb8;
	[tilespmem:$0x18400] =	vst v63  }
0xda: {  	_ =	swait.ge [sflag:s29], $0x4000  }
0xdb: {  	[sflag:s29] =	ssyncset.done $0x0  }
0xdc: {  	[sflag:s29] =	ssyncadd.s32 $0xFFFFC000  }
0xdd: {  	[hbm4b:s20+s4] =	stream.linear.scatter [tilespmem:s22], [sflag:$0x2], $0x4000, $0x38;
	[tilespmem:$0x18400] =	vst v63  }
0xde: {  	_ =	swait.ge [sflag:s18], $0x4000  }
0xdf: {  	[sflag:s18] =	ssyncset.done $0x0  }
0xe0: {  	[sflag:s18] =	ssyncadd.s32 $0xFFFFC000  }
0xe1: {  	_ =	swait.ge [sflag:s29], $0x4000  }
0xe2: {  	[sflag:s29] =	ssyncset.done $0x0  }
0xe3: {  	s30 =	sadd.s32 $0x800, s20;
	[sflag:s29] =	ssyncadd.s32 $0xFFFFC000  }
0xe4: {  	[hbm4b:s30+s4] =	stream.linear.scatter [tilespmem:s23], [sflag:$0x2], $0x4000, $0x38;
	[tilespmem:$0x18400] =	vst v63  }
0xe5: {  	_ =	swait.ge [sflag:s18], $0x4000  }
0xe6: {  	[sflag:s18] =	ssyncset.done $0x0  }
0xe7: {  	[sflag:s18] =	ssyncadd.s32 $0xFFFFC000  }
0xe8: {  	_ =	swait.ge [sflag:s29], $0x4000  }
0xe9: {  	[sflag:s29] =	ssyncset.done $0x0  }
0xea: {  	s30 =	sadd.s32 $0x1000, s20;
	[sflag:s29] =	ssyncadd.s32 $0xFFFFC000  }
0xeb: {  	[hbm4b:s30+s4] =	stream.linear.scatter [tilespmem:s25], [sflag:$0x2], $0x4000, $0x38;
	[tilespmem:$0x18400] =	vst v63  }
0xec: {  	_ =	swait.ge [sflag:s18], $0x4000  }
0xed: {  	[sflag:s18] =	ssyncset.done $0x0  }
0xee: {  	[sflag:s18] =	ssyncadd.s32 $0xFFFFC000  }
0xef: {  	_ =	swait.ge [sflag:s29], $0x4000  }
.Ltmp0:
0xf0: {  	[sflag:s29] =	ssyncset.done $0x0;
	(pc) =	sbr.rel @p0 .LBB2_2-.Ltmp0, $4  }
0xf1: {  	s30 =	sadd.s32 $0x1800, s20;
	[sflag:s29] =	ssyncadd.s32 $0xFFFFC000  }
0xf2: {  	[hbm4b:s30+s4] =	stream.linear.scatter [tilespmem:s28], [sflag:$0x2], $0x4000, $0x38;
	[tilespmem:$0x18400] =	vst v63  }
0xf3: {  	_ =	swait.ge [sflag:s18], $0x4000  }
0xf4: {  	s24 =	sadd.s32 $0x400, s24;
	s20 =	sadd.s32 $0x4000, s20;
	[sflag:s18] =	ssyncset.done $0x0  }
0xf5: {  	s26 =	sadd.s32 $0xFFFFFE00, s24;
	[sflag:s18] =	ssyncadd.s32 $0xFFFFC000  }
0xf6: {  	[tilespmem:s22], [sflag:$0x1] =	stream.indirect.gather [hbm4b:s2+s21], $0x80, s26, s21, $0xb8;
	[tilespmem:$0x18400] =	vst v63  }
0xf7: {  	s30 =	sadd.s32 $0xFFFFFE80, s24  }
0xf8: {  	[tilespmem:s23], [sflag:$0x1] =	stream.indirect.gather [hbm4b:s2+s21], $0x80, s30, s21, $0xb8;
	[tilespmem:$0x18400] =	vst v63  }
0xf9: {  	s30 =	sadd.s32 $0xFFFFFF00, s24  }
0xfa: {  	[tilespmem:s25], [sflag:$0x1] =	stream.indirect.gather [hbm4b:s2+s21], $0x80, s30, s21, $0xb8;
	[tilespmem:$0x18400] =	vst v63  }
0xfb: {  	s30 =	sadd.s32 $0xFFFFFF80, s24  }
0xfc: {  	[tilespmem:s28], [sflag:$0x1] =	stream.indirect.gather [hbm4b:s2+s21], $0x80, s30, s21, $0xb8;
	[tilespmem:$0x18400] =	vst v63  }
0xfd: {  	_ =	swait.ge [sflag:s29], $0x4000  }
0xfe: {  	[sflag:s29] =	ssyncset.done $0x0  }
0xff: {  	s30 =	sadd.s32 $0xFFFFE000, s20;
	[sflag:s29] =	ssyncadd.s32 $0xFFFFC000  }
0x100: {  	[hbm4b:s30+s4] =	stream.linear.scatter [tilespmem:s22], [sflag:$0x2], $0x4000, $0x38;
	[tilespmem:$0x18400] =	vst v63  }
0x101: {  	_ =	swait.ge [sflag:s18], $0x4000  }
0x102: {  	[sflag:s18] =	ssyncset.done $0x0  }
0x103: {  	[sflag:s18] =	ssyncadd.s32 $0xFFFFC000  }
0x104: {  	_ =	swait.ge [sflag:s29], $0x4000  }
0x105: {  	[sflag:s29] =	ssyncset.done $0x0  }
0x106: {  	s30 =	sadd.s32 $0xFFFFE800, s20;
	[sflag:s29] =	ssyncadd.s32 $0xFFFFC000  }
0x107: {  	[hbm4b:s30+s4] =	stream.linear.scatter [tilespmem:s23], [sflag:$0x2], $0x4000, $0x38;
	[tilespmem:$0x18400] =	vst v63  }
0x108: {  	_ =	swait.ge [sflag:s18], $0x4000  }
0x109: {  	[sflag:s18] =	ssyncset.done $0x0  }
0x10a: {  	[sflag:s18] =	ssyncadd.s32 $0xFFFFC000  }
0x10b: {  	_ =	swait.ge [sflag:s29], $0x4000  }
0x10c: {  	[sflag:s29] =	ssyncset.done $0x0  }
0x10d: {  	s30 =	sadd.s32 $0xFFFFF000, s20;
	[sflag:s29] =	ssyncadd.s32 $0xFFFFC000  }
0x10e: {  	[hbm4b:s30+s4] =	stream.linear.scatter [tilespmem:s25], [sflag:$0x2], $0x4000, $0x38;
	[tilespmem:$0x18400] =	vst v63  }
0x10f: {  	_ =	swait.ge [sflag:s18], $0x4000  }
0x110: {  	[sflag:s18] =	ssyncset.done $0x0  }
0x111: {  	[sflag:s18] =	ssyncadd.s32 $0xFFFFC000  }
0x112: {  	_ =	swait.ge [sflag:s29], $0x4000  }
0x113: {  	[sflag:s29] =	ssyncset.done $0x0  }
0x114: {  	s30 =	sadd.s32 $0xFFFFF800, s20;
	[sflag:s29] =	ssyncadd.s32 $0xFFFFC000  }
0x115: {  	[hbm4b:s30+s4] =	stream.linear.scatter [tilespmem:s28], [sflag:$0x2], $0x4000, $0x38;
	[tilespmem:$0x18400] =	vst v63  }
0x116: {  	_ =	swait.ge [sflag:s18], $0x4000  }
0x117: {  	[sflag:s18] =	ssyncset.done $0x0  }
0x118: {  	[sflag:s18] =	ssyncadd.s32 $0xFFFFC000  }
0x119: {  	[tilespmem:s22], [sflag:$0x1] =	stream.indirect.gather [hbm4b:s2+s21], $0x80, s24, s21, $0xb8;
	[tilespmem:$0x18400] =	vst v63  }
0x11a: {  	s30 =	sadd.s32 $0x80, s24  }
0x11b: {  	[tilespmem:s23], [sflag:$0x1] =	stream.indirect.gather [hbm4b:s2+s21], $0x80, s30, s21, $0xb8;
	[tilespmem:$0x18400] =	vst v63  }
0x11c: {  	s30 =	sadd.s32 $0x100, s24  }
0x11d: {  	[tilespmem:s25], [sflag:$0x1] =	stream.indirect.gather [hbm4b:s2+s21], $0x80, s30, s21, $0xb8;
	[tilespmem:$0x18400] =	vst v63  }
0x11e: {  	s26 =	sadd.s32 $0x180, s24  }
0x11f: {  	[tilespmem:s28], [sflag:$0x1] =	stream.indirect.gather [hbm4b:s2+s21], $0x80, s26, s21, $0xb8;
	[tilespmem:$0x18400] =	vst v63  }
0x120: {  	_ =	swait.ge [sflag:s29], $0x4000  }
0x121: {  	[sflag:s29] =	ssyncset.done $0x0  }
0x122: {  	[sflag:s29] =	ssyncadd.s32 $0xFFFFC000  }
0x123: {  	[hbm4b:s20+s4] =	stream.linear.scatter [tilespmem:s22], [sflag:$0x2], $0x4000, $0x38;
	[tilespmem:$0x18400] =	vst v63  }
0x124: {  	_ =	swait.ge [sflag:s18], $0x4000  }
0x125: {  	[sflag:s18] =	ssyncset.done $0x0  }
0x126: {  	[sflag:s18] =	ssyncadd.s32 $0xFFFFC000  }
0x127: {  	_ =	swait.ge [sflag:s29], $0x4000  }
0x128: {  	[sflag:s29] =	ssyncset.done $0x0  }
0x129: {  	s30 =	sadd.s32 $0x800, s20;
	[sflag:s29] =	ssyncadd.s32 $0xFFFFC000  }
0x12a: {  	[hbm4b:s30+s4] =	stream.linear.scatter [tilespmem:s23], [sflag:$0x2], $0x4000, $0x38;
	[tilespmem:$0x18400] =	vst v63  }
0x12b: {  	_ =	swait.ge [sflag:s18], $0x4000  }
0x12c: {  	[sflag:s18] =	ssyncset.done $0x0  }
0x12d: {  	[sflag:s18] =	ssyncadd.s32 $0xFFFFC000  }
0x12e: {  	_ =	swait.ge [sflag:s29], $0x4000  }
0x12f: {  	[sflag:s29] =	ssyncset.done $0x0  }
0x130: {  	s26 =	sadd.s32 $0x1000, s20;
	[sflag:s29] =	ssyncadd.s32 $0xFFFFC000  }
0x131: {  	[hbm4b:s26+s4] =	stream.linear.scatter [tilespmem:s25], [sflag:$0x2], $0x4000, $0x38;
	[tilespmem:$0x18400] =	vst v63  }
0x132: {  	_ =	swait.ge [sflag:s18], $0x4000  }
0x133: {  	[sflag:s18] =	ssyncset.done $0x0  }
0x134: {  	[sflag:s18] =	ssyncadd.s32 $0xFFFFC000  }
0x135: {  	s3 =	sadd.s32 $0x1, s3;
	_ =	swait.ge [sflag:s29], $0x4000  }
0x136: {  	p0 =	sne.s32 s3, s16;
	[sflag:s29] =	ssyncset.done $0x0  }
.Ltmp1:
0x137: {  	s30 =	sadd.s32 $0x1800, s20;
	[sflag:s29] =	ssyncadd.s32 $0xFFFFC000;
	(pc) =	sbr.rel @p0 .LBB2_1-.Ltmp1, $4  }
0x138: {  	[hbm4b:s30+s4] =	stream.linear.scatter [tilespmem:s28], [sflag:$0x2], $0x4000, $0x38;
	[tilespmem:$0x18400] =	vst v63  }
0x139: {  	_ =	swait.ge [sflag:s18], $0x4000  }
0x13a: {  	[sflag:s18] =	ssyncset.done $0x0  }
0x13b: {  	[sflag:s18] =	ssyncadd.s32 $0xFFFFC000  }
0x13c: {  	_ =	sfence.sel $0x180000  }
0x13d: {  	[bflag:$0x0] =	sbarrier.arrive $0xFFFF  }
0x13e: {  	_ =	strace $0x90000047  }
0x13f: {  	s0 =	stileid.u32;
	[bflag:$0x2] =	sbarrier.arrive $0xFFFF  }
0x140: {  	p0 =	sne.s32 s0, $0x0;
	s0 =	rddreg [dreg:$0x8]  }
0x141: {  	s0 =	sadd.s32 @!p0 $0x100000, s0  }
0x142: {  	[sflag:s0] =	ssyncadd.tile.s32 @!p0 $0x1;
	_ =	shalt  }
.Lfunc_end2:
_tile_overlayer_lowered:
.L_overlay_start_2:
0x143: {  	(tag) =	ssettag $0x2  }
0x144: {  	s0 =	rddreg [dreg:$0x0];
	s2 =	stileid.u32  }
0x145: {  	s1 =	rddreg [dreg:$0x1];
	p0 =	sne.s32 s2, $0x0  }
0x146: {  	s3 =	rddreg [dreg:$0x2];
	[bflag:$0x3] =	sbarrier.arrive $0xFFFF;
	s2 =	simm.s32 @!p0 $0x1C02  }
0x147: {  	[timem:s3], [sflag:s2] =	dma.local @!p0 [hbm:s0], s1  }
0x148: {  	s0 =	simm.s32 @!p0 $0x2  }
0x149: {  	_ =	swait.ge @!p0 [sflag:s0], s1  }
0x14a: {  	s1 =	ssub.s32 @!p0 $0x0, s1;
	[sflag:s0] =	ssyncset.done @!p0 $0x0  }
0x14b: {  	[sflag:s0] =	ssyncadd.s32 @!p0 s1  }
0x14c: {  	[bflag:$0x3] =	sbarrier.arrive $0xFFFF  }
0x14d: {  	_ =	shalt  }

</sc_bundles>
